<compile_context>
chip_gen: v7x
topology: tpu7x:2x2x1
jax: 0.10.2.dev20260603
libtpu: 0.0.44.dev20260713+nightly
codegen_flags: <defaults>
</compile_context>

<pallas_src>
import jax
import jax.numpy as jnp
from jax import lax
from jax.experimental import pallas as pl
from jax.experimental.pallas import tpu as pltpu
from jax.experimental.pallas import tpu_sc as plsc

EMBED_DIM = 16
BLOCK_B = 512
ROWS_PER_128 = 128 // EMBED_DIM


def kernel(follow_inputs, table):
    batch, hist = follow_inputs.shape
    vocab, d = table.shape
    idx_t = jnp.transpose(follow_inputs)
    tbl = jnp.reshape(table, (vocab * d // 128, 128))

    nb = batch // BLOCK_B
    mesh = plsc.VectorSubcoreMesh(core_axis_name="c", subcore_axis_name="s")

    @pl.kernel(
        out_type=jax.ShapeDtypeStruct((hist, EMBED_DIM, batch), table.dtype),
        mesh=mesh,
        scratch_types=[
            pltpu.VMEM((BLOCK_B,), jnp.int32),
            pltpu.VMEM((BLOCK_B,), jnp.int32),
            pltpu.VMEM((BLOCK_B, 128), jnp.float32),
            pltpu.SemaphoreType.DMA,
        ],
        compiler_params=pltpu.CompilerParams(needs_layout_passes=False),
    )
    def gather_kernel(tbl_hbm, idx_hbm, out_hbm, coarse_v, off_v, rows_v, sem):
        def body(idx_vmem, out_vmem):
            @pl.loop(0, BLOCK_B // 16)
            def _(m):
                v = idx_vmem[0, pl.ds(m * 16, 16)]
                coarse_v[pl.ds(m * 16, 16)] = v >> 3
                off_v[pl.ds(m * 16, 16)] = (v & 7) * 16

            pltpu.async_copy(tbl_hbm.at[coarse_v], rows_v, sem).wait()

            @plsc.parallel_loop(0, BLOCK_B // 16, unroll=2)
            def _(m):
                rows16 = m * 16 + lax.iota(jnp.int32, 16)
                off16 = off_v[pl.ds(m * 16, 16)]

                @plsc.parallel_loop(0, EMBED_DIM, unroll=4)
                def _(c):
                    col = plsc.load_gather(rows_v, [rows16, off16 + c])
                    out_vmem[0, c, pl.ds(m * 16, 16)] = col

        pltpu.emit_pipeline(
            body,
            grid=(hist * nb,),
            in_specs=[
                pl.BlockSpec((1, BLOCK_B), index_map=lambda i: (i // nb, i % nb))
            ],
            out_specs=[
                pl.BlockSpec(
                    (1, EMBED_DIM, BLOCK_B),
                    index_map=lambda i: (i // nb, 0, i % nb),
                )
            ],
            core_axis_name=("c", "s"),
            dimension_semantics=(pltpu.PARALLEL,),
        )(idx_hbm, out_hbm)

    out = gather_kernel(tbl, idx_t)
    return jnp.transpose(out, (2, 0, 1))

# --- scband reference (transcript-rebuilt; emitter-appended) ---
"""Pipeline reference for scband-follow-emebdding-layer-22342419874473 (READ-ONLY COPY).

The authoritative reference and input builder live on the scoring server;
editing this copy changes nothing except your own understanding.
"""

import jax, jax.numpy as jnp
import numpy as np

NUM_FOLLOW = 1000000
EMBED_DIM = 16
BATCH = 16384
HIST = 50

def setup_inputs(seed: int = 0) -> dict:
    key = jax.random.key(seed)
    k1, k2 = jax.random.split(key)
    follow_inputs = jax.random.randint(k1, (BATCH, HIST), 0, NUM_FOLLOW, dtype=jnp.int64 if jax.config.jax_enable_x64 else jnp.int32)
    table = jax.random.normal(k2, (NUM_FOLLOW, EMBED_DIM), dtype=jnp.float32)
    return {"follow_inputs": follow_inputs, "table": table}

def reference(follow_inputs, table):
    # nn.Embedding forward: gather rows of the embedding table
    follow_embeds = jnp.take(table, follow_inputs, axis=0)
    return follow_embeds

if __name__ == "__main__":
    import jax
    _d = setup_inputs()
    print(jax.jit(kernel)(*tuple(_d.values())))

</pallas_src>

<mosaic_0001>
#map = affine_map<(d0, d1) -> (0, 0)>
#map1 = affine_map<(d0, d1) -> (0, 0, 0)>
module attributes {stable_mosaic.version = 14 : i64} {
  func.func @gather_kernel(%arg0: i32, %arg1: i32, %arg2: memref<125000x128xf32, #tpu.memory_space<hbm>>, %arg3: memref<50x16384xi32, #tpu.memory_space<hbm>>, %arg4: memref<50x16x16384xf32, #tpu.memory_space<hbm>>, %arg5: memref<512xi32, #tpu.memory_space<vmem>>, %arg6: memref<512xi32, #tpu.memory_space<vmem>>, %arg7: memref<512x128xf32, #tpu.memory_space<vmem>>, %arg8: memref<!tpu.dma_semaphore, #tpu.memory_space<semaphore_mem>>) attributes {dimension_semantics = [#tpu.dimension_semantics<core_parallel>, #tpu.dimension_semantics<subcore_parallel>], iteration_bounds = array<i64: 2, 16>, scalar_prefetch = 0 : i64, scratch_operands = 4 : i64, tpu.core_type = #tpu.core_type<sc_vector_subcore>, window_params = [{transform_indices = #map}, {transform_indices = #map}, {transform_indices = #map1}]} {
    %mul3A = arith.constant 1 : i32
    %mul3A_0 = arith.muli %arg1, %mul3A : i32
    %add3A = arith.constant 0 : i32
    %add3A_1 = arith.addi %add3A, %mul3A_0 : i32
    %mul3A_2 = arith.constant 16 : i32
    %mul3A_3 = arith.muli %arg0, %mul3A_2 : i32
    %add3A_4 = arith.addi %add3A_1, %mul3A_3 : i32
    %mul3A_5 = arith.constant 50 : i32
    %mul3A_6 = arith.muli %add3A_4, %mul3A_5 : i32
    "tpu.region"() ({
      %run_scoped3A = memref.alloca() : memref<2x1x512xi32, #tpu.memory_space<vmem>>
      %run_scoped3A_7 = tpu.sem_alloc : memref<2x!tpu.dma_semaphore, #tpu.memory_space<semaphore_mem>>
      %run_scoped3A_8 = memref.alloca() : memref<2x1x16x512xf32, #tpu.memory_space<vmem>>
      %run_scoped3A_9 = tpu.sem_alloc : memref<2x!tpu.dma_semaphore, #tpu.memory_space<semaphore_mem>>
      %add3A_10 = arith.constant 0 : i32
      %add3A_11 = arith.addi %add3A_10, %mul3A_6 : i32
      %select_n3A = arith.constant true
      %select_n3A_12 = arith.constant 0 : i32
      %select_n3A_13 = arith.constant -1 : i32
      %select_n3A_14 = arith.select %select_n3A, %select_n3A_13, %select_n3A_12 : i32
      %eq3A = arith.constant -1 : i32
      %eq3A_15 = arith.cmpi eq, %select_n3A_14, %eq3A : i32
      %select_n3A_16 = arith.constant 49 : i32
      %select_n3A_17 = arith.select %eq3A_15, %select_n3A_16, %select_n3A_14 : i32
      %add3A_18 = arith.addi %select_n3A_17, %mul3A_6 : i32
      %select_n3A_19 = arith.constant true
      %select_n3A_20 = arith.constant 0 : i32
      %select_n3A_21 = arith.constant 1 : i32
      %select_n3A_22 = arith.select %select_n3A_19, %select_n3A_21, %select_n3A_20 : i32
      %eq3A_23 = arith.constant 50 : i32
      %eq3A_24 = arith.cmpi eq, %select_n3A_22, %eq3A_23 : i32
      %select_n3A_25 = arith.constant 0 : i32
      %select_n3A_26 = arith.select %eq3A_24, %select_n3A_25, %select_n3A_22 : i32
      %add3A_27 = arith.addi %select_n3A_26, %mul3A_6 : i32
      %add3A_28 = arith.constant 1 : i32
      %add3A_29 = arith.addi %select_n3A_26, %add3A_28 : i32
      %select_n3A_30 = arith.constant true
      %select_n3A_31 = arith.select %select_n3A_30, %add3A_29, %select_n3A_26 : i32
      %eq3A_32 = arith.constant 50 : i32
      %eq3A_33 = arith.cmpi eq, %select_n3A_31, %eq3A_32 : i32
      %select_n3A_34 = arith.constant 0 : i32
      %select_n3A_35 = arith.select %eq3A_33, %select_n3A_34, %select_n3A_31 : i32
      %add3A_36 = arith.addi %select_n3A_35, %mul3A_6 : i32
      "tpu.trace_start"() <{level = 10 : i32, message = "ep_initialize_0"}> : () -> ()
      %rem3A = arith.constant 0 : i32
      %rem3A_37 = arith.constant 2 : i32
      %rem3A_38 = arith.remui %rem3A, %rem3A_37 : i32
      %jit3A = arith.constant 32 : i32
      %div3A = arith.divsi %add3A_11, %jit3A : i32
      %sign3A = arith.constant 0 : i32
      %sign3A_39 = arith.cmpi sgt, %add3A_11, %sign3A : i32
      %sign3A_40 = arith.extui %sign3A_39 : i1 to i32
      %sign3A_41 = arith.constant 0 : i32
      %sign3A_42 = arith.cmpi slt, %add3A_11, %sign3A_41 : i32
      %sign3A_43 = arith.extui %sign3A_42 : i1 to i32
      %sign3A_44 = arith.subi %sign3A_40, %sign3A_43 : i32
      %sign3A_45 = arith.constant 0 : i32
      %sign3A_46 = arith.cmpi sgt, %jit3A, %sign3A_45 : i32
      %sign3A_47 = arith.extui %sign3A_46 : i1 to i32
      %sign3A_48 = arith.constant 0 : i32
      %sign3A_49 = arith.cmpi slt, %jit3A, %sign3A_48 : i32
      %sign3A_50 = arith.extui %sign3A_49 : i1 to i32
      %sign3A_51 = arith.subi %sign3A_47, %sign3A_50 : i32
      %ne3A = arith.cmpi ne, %sign3A_44, %sign3A_51 : i32
      %rem3A_52 = arith.remsi %add3A_11, %jit3A : i32
      %ne3A_53 = arith.constant 0 : i32
      %ne3A_54 = arith.cmpi ne, %rem3A_52, %ne3A_53 : i32
      %and3A = arith.andi %ne3A, %ne3A_54 : i1
      %sub3A = arith.constant 1 : i32
      %sub3A_55 = arith.subi %div3A, %sub3A : i32
      %select_n3A_56 = arith.select %and3A, %sub3A_55, %div3A : i32
      %jit3A_57 = arith.constant 32 : i32
      %eq3A_58 = arith.constant 0 : i32
      %eq3A_59 = arith.cmpi eq, %jit3A_57, %eq3A_58 : i32
      %jit3A_60 = arith.constant 1 : i32
      %select_n3A_61 = arith.select %eq3A_59, %jit3A_60, %jit3A_57 : i32
      %rem3A_62 = arith.remsi %add3A_11, %select_n3A_61 : i32
      %ne3A_63 = arith.constant 0 : i32
      %ne3A_64 = arith.cmpi ne, %rem3A_62, %ne3A_63 : i32
      %lt3A = arith.constant 0 : i32
      %lt3A_65 = arith.cmpi slt, %rem3A_62, %lt3A : i32
      %lt3A_66 = arith.constant 0 : i32
      %lt3A_67 = arith.cmpi slt, %select_n3A_61, %lt3A_66 : i32
      %ne3A_68 = arith.xori %lt3A_65, %lt3A_67 : i1
      %and3A_69 = arith.andi %ne3A_68, %ne3A_64 : i1
      %add3A_70 = arith.addi %rem3A_62, %select_n3A_61 : i32
      %select_n3A_71 = arith.select %and3A_69, %add3A_70, %rem3A_62 : i32
      %mul3A_72 = arith.constant 1 : i32
      %mul3A_73 = arith.muli %mul3A_72, %select_n3A_56 : i32
      %mul3A_74 = arith.constant 512 : i32
      %mul3A_75 = arith.muli %mul3A_74, %select_n3A_71 : i32
      %dma_start3A = arith.constant 0 : i32
      %dma_start3A_76 = arith.constant 0 : i32
      %dma_start3A_77 = tpu.memref_slice %run_scoped3A[%rem3A_38, %dma_start3A, %dma_start3A_76] : memref<2x1x512xi32, #tpu.memory_space<vmem>> -> memref<1x1x512xi32, #tpu.memory_space<vmem>>
      %dma_start3A_78 = tpu.memref_squeeze %dma_start3A_77 : memref<1x1x512xi32, #tpu.memory_space<vmem>> -> memref<1x512xi32, #tpu.memory_space<vmem>>
      %dma_start3A_79 = tpu.memref_slice %arg3[%mul3A_73, %mul3A_75] : memref<50x16384xi32, #tpu.memory_space<hbm>> -> memref<1x512xi32, #tpu.memory_space<hbm>>
      %dma_start3A_80 = tpu.memref_slice %run_scoped3A_7[%rem3A_38] : memref<2x!tpu.dma_semaphore, #tpu.memory_space<semaphore_mem>> -> memref<1x!tpu.dma_semaphore, #tpu.memory_space<semaphore_mem>>
      %dma_start3A_81 = tpu.memref_squeeze %dma_start3A_80 : memref<1x!tpu.dma_semaphore, #tpu.memory_space<semaphore_mem>> -> memref<!tpu.dma_semaphore, #tpu.memory_space<semaphore_mem>>
      %dma_start3A_82 = arith.constant 0 : i32
      %dma_start3A_83 = arith.constant 0 : i32
      %dma_start3A_84 = tpu.memref_slice %run_scoped3A[%rem3A_38, %dma_start3A_82, %dma_start3A_83] : memref<2x1x512xi32, #tpu.memory_space<vmem>> -> memref<1x1x512xi32, #tpu.memory_space<vmem>>
      %dma_start3A_85 = tpu.memref_squeeze %dma_start3A_84 : memref<1x1x512xi32, #tpu.memory_space<vmem>> -> memref<1x512xi32, #tpu.memory_space<vmem>>
      %dma_start3A_86 = tpu.memref_slice %arg3[%mul3A_73, %mul3A_75] : memref<50x16384xi32, #tpu.memory_space<hbm>> -> memref<1x512xi32, #tpu.memory_space<hbm>>
      tpu.enqueue_dma source(%dma_start3A_86 : memref<1x512xi32, #tpu.memory_space<hbm>>) target(%dma_start3A_85 : memref<1x512xi32, #tpu.memory_space<vmem>>) target_semaphore(%dma_start3A_81 : memref<!tpu.dma_semaphore, #tpu.memory_space<semaphore_mem>>)
      %add3A_87 = arith.constant 0 : i32
      %add3A_88 = arith.constant 1 : i32
      %add3A_89 = arith.addi %add3A_87, %add3A_88 : i32
      %select_n3A_90 = arith.constant true
      %select_n3A_91 = arith.constant 0 : i32
      %select_n3A_92 = arith.select %select_n3A_90, %add3A_89, %select_n3A_91 : i32
      "tpu.trace_stop"() : () -> ()
      %scan3A = arith.constant 0 : i32
      %scan3A_93 = arith.constant 0 : i32
      %scan3A_94 = arith.constant 0 : i32
      %scan3A_95 = arith.constant 0 : i32
      %scan3A_96 = arith.constant 0 : i32
      %scan3A_97 = arith.constant 50 : i32
      %scan3A_98 = arith.addi %scan3A_96, %scan3A_97 : i32
      %scan3A_99 = arith.constant 1 : i32
      %scan3A_100:5 = scf.for %scan3A_199 = %scan3A_96 to %scan3A_98 step %scan3A_99 iter_args(%scan3A_200 = %select_n3A_92, %scan3A_201 = %scan3A, %scan3A_202 = %scan3A_93, %scan3A_203 = %scan3A_94, %scan3A_204 = %scan3A_95) -> (i32, i32, i32, i32, i32)  : i32 {
        %eq3A_205 = arith.constant 0 : i32
        %eq3A_206 = arith.cmpi eq, %scan3A_199, %eq3A_205 : i32
        %eq3A_207 = arith.constant 49 : i32
        %eq3A_208 = arith.cmpi eq, %scan3A_199, %eq3A_207 : i32
        %add3A_209 = arith.addi %scan3A_204, %mul3A_6 : i32
        %sub3A_210 = arith.constant 1 : i32
        %sub3A_211 = arith.subi %scan3A_204, %sub3A_210 : i32
        %select_n3A_212 = arith.constant true
        %select_n3A_213 = arith.select %select_n3A_212, %sub3A_211, %scan3A_204 : i32
        %eq3A_214 = arith.constant -1 : i32
        %eq3A_215 = arith.cmpi eq, %select_n3A_213, %eq3A_214 : i32
        %select_n3A_216 = arith.constant 49 : i32
        %select_n3A_217 = arith.select %eq3A_215, %select_n3A_216, %select_n3A_213 : i32
        %add3A_218 = arith.addi %select_n3A_217, %mul3A_6 : i32
        %add3A_219 = arith.constant 1 : i32
        %add3A_220 = arith.addi %scan3A_204, %add3A_219 : i32
        %select_n3A_221 = arith.constant true
        %select_n3A_222 = arith.select %select_n3A_221, %add3A_220, %scan3A_204 : i32
        %eq3A_223 = arith.constant 50 : i32
        %eq3A_224 = arith.cmpi eq, %select_n3A_222, %eq3A_223 : i32
        %select_n3A_225 = arith.constant 0 : i32
        %select_n3A_226 = arith.select %eq3A_224, %select_n3A_225, %select_n3A_222 : i32
        %add3A_227 = arith.addi %select_n3A_226, %mul3A_6 : i32
        %add3A_228 = arith.constant 1 : i32
        %add3A_229 = arith.addi %select_n3A_226, %add3A_228 : i32
        %select_n3A_230 = arith.constant true
        %select_n3A_231 = arith.select %select_n3A_230, %add3A_229, %select_n3A_226 : i32
        %eq3A_232 = arith.constant 50 : i32
        %eq3A_233 = arith.cmpi eq, %select_n3A_231, %eq3A_232 : i32
        %select_n3A_234 = arith.constant 0 : i32
        %select_n3A_235 = arith.select %eq3A_233, %select_n3A_234, %select_n3A_231 : i32
        %add3A_236 = arith.addi %select_n3A_235, %mul3A_6 : i32
        %jit3A_237 = arith.constant 32 : i32
        %div3A_238 = arith.divsi %add3A_209, %jit3A_237 : i32
        %sign3A_239 = arith.constant 0 : i32
        %sign3A_240 = arith.cmpi sgt, %add3A_209, %sign3A_239 : i32
        %sign3A_241 = arith.extui %sign3A_240 : i1 to i32
        %sign3A_242 = arith.constant 0 : i32
        %sign3A_243 = arith.cmpi slt, %add3A_209, %sign3A_242 : i32
        %sign3A_244 = arith.extui %sign3A_243 : i1 to i32
        %sign3A_245 = arith.subi %sign3A_241, %sign3A_244 : i32
        %sign3A_246 = arith.constant 0 : i32
        %sign3A_247 = arith.cmpi sgt, %jit3A_237, %sign3A_246 : i32
        %sign3A_248 = arith.extui %sign3A_247 : i1 to i32
        %sign3A_249 = arith.constant 0 : i32
        %sign3A_250 = arith.cmpi slt, %jit3A_237, %sign3A_249 : i32
        %sign3A_251 = arith.extui %sign3A_250 : i1 to i32
        %sign3A_252 = arith.subi %sign3A_248, %sign3A_251 : i32
        %ne3A_253 = arith.cmpi ne, %sign3A_245, %sign3A_252 : i32
        %rem3A_254 = arith.remsi %add3A_209, %jit3A_237 : i32
        %ne3A_255 = arith.constant 0 : i32
        %ne3A_256 = arith.cmpi ne, %rem3A_254, %ne3A_255 : i32
        %and3A_257 = arith.andi %ne3A_253, %ne3A_256 : i1
        %sub3A_258 = arith.constant 1 : i32
        %sub3A_259 = arith.subi %div3A_238, %sub3A_258 : i32
        %select_n3A_260 = arith.select %and3A_257, %sub3A_259, %div3A_238 : i32
        %jit3A_261 = arith.constant 32 : i32
        %eq3A_262 = arith.constant 0 : i32
        %eq3A_263 = arith.cmpi eq, %jit3A_261, %eq3A_262 : i32
        %jit3A_264 = arith.constant 1 : i32
        %select_n3A_265 = arith.select %eq3A_263, %jit3A_264, %jit3A_261 : i32
        %rem3A_266 = arith.remsi %add3A_209, %select_n3A_265 : i32
        %ne3A_267 = arith.constant 0 : i32
        %ne3A_268 = arith.cmpi ne, %rem3A_266, %ne3A_267 : i32
        %lt3A_269 = arith.constant 0 : i32
        %lt3A_270 = arith.cmpi slt, %rem3A_266, %lt3A_269 : i32
        %lt3A_271 = arith.constant 0 : i32
        %lt3A_272 = arith.cmpi slt, %select_n3A_265, %lt3A_271 : i32
        %ne3A_273 = arith.xori %lt3A_270, %lt3A_272 : i1
        %and3A_274 = arith.andi %ne3A_273, %ne3A_268 : i1
        %add3A_275 = arith.addi %rem3A_266, %select_n3A_265 : i32
        %select_n3A_276 = arith.select %and3A_274, %add3A_275, %rem3A_266 : i32
        %jit3A_277 = arith.constant 32 : i32
        %div3A_278 = arith.divsi %add3A_227, %jit3A_277 : i32
        %sign3A_279 = arith.constant 0 : i32
        %sign3A_280 = arith.cmpi sgt, %add3A_227, %sign3A_279 : i32
        %sign3A_281 = arith.extui %sign3A_280 : i1 to i32
        %sign3A_282 = arith.constant 0 : i32
        %sign3A_283 = arith.cmpi slt, %add3A_227, %sign3A_282 : i32
        %sign3A_284 = arith.extui %sign3A_283 : i1 to i32
        %sign3A_285 = arith.subi %sign3A_281, %sign3A_284 : i32
        %sign3A_286 = arith.constant 0 : i32
        %sign3A_287 = arith.cmpi sgt, %jit3A_277, %sign3A_286 : i32
        %sign3A_288 = arith.extui %sign3A_287 : i1 to i32
        %sign3A_289 = arith.constant 0 : i32
        %sign3A_290 = arith.cmpi slt, %jit3A_277, %sign3A_289 : i32
        %sign3A_291 = arith.extui %sign3A_290 : i1 to i32
        %sign3A_292 = arith.subi %sign3A_288, %sign3A_291 : i32
        %ne3A_293 = arith.cmpi ne, %sign3A_285, %sign3A_292 : i32
        %rem3A_294 = arith.remsi %add3A_227, %jit3A_277 : i32
        %ne3A_295 = arith.constant 0 : i32
        %ne3A_296 = arith.cmpi ne, %rem3A_294, %ne3A_295 : i32
        %and3A_297 = arith.andi %ne3A_293, %ne3A_296 : i1
        %sub3A_298 = arith.constant 1 : i32
        %sub3A_299 = arith.subi %div3A_278, %sub3A_298 : i32
        %select_n3A_300 = arith.select %and3A_297, %sub3A_299, %div3A_278 : i32
        %jit3A_301 = arith.constant 32 : i32
        %eq3A_302 = arith.constant 0 : i32
        %eq3A_303 = arith.cmpi eq, %jit3A_301, %eq3A_302 : i32
        %jit3A_304 = arith.constant 1 : i32
        %select_n3A_305 = arith.select %eq3A_303, %jit3A_304, %jit3A_301 : i32
        %rem3A_306 = arith.remsi %add3A_227, %select_n3A_305 : i32
        %ne3A_307 = arith.constant 0 : i32
        %ne3A_308 = arith.cmpi ne, %rem3A_306, %ne3A_307 : i32
        %lt3A_309 = arith.constant 0 : i32
        %lt3A_310 = arith.cmpi slt, %rem3A_306, %lt3A_309 : i32
        %lt3A_311 = arith.constant 0 : i32
        %lt3A_312 = arith.cmpi slt, %select_n3A_305, %lt3A_311 : i32
        %ne3A_313 = arith.xori %lt3A_310, %lt3A_312 : i1
        %and3A_314 = arith.andi %ne3A_313, %ne3A_308 : i1
        %add3A_315 = arith.addi %rem3A_306, %select_n3A_305 : i32
        %select_n3A_316 = arith.select %and3A_314, %add3A_315, %rem3A_306 : i32
        %ne3A_317 = arith.cmpi ne, %select_n3A_260, %select_n3A_300 : i32
        %ne3A_318 = arith.cmpi ne, %select_n3A_276, %select_n3A_316 : i32
        %or3A = arith.constant false
        %or3A_319 = arith.ori %or3A, %ne3A_317 : i1
        %or3A_320 = arith.ori %or3A_319, %ne3A_318 : i1
        %ge3A = arith.constant 49 : i32
        %ge3A_321 = arith.cmpi sge, %scan3A_199, %ge3A : i32
        %not3A = arith.constant true
        %not3A_322 = arith.xori %ge3A_321, %not3A : i1
        %and3A_323 = arith.andi %or3A_320, %not3A_322 : i1
        %convert_element_type3A = arith.extui %and3A_323 : i1 to i32
        %cond3A = arith.constant 0 : i32
        %cond3A_324 = arith.cmpi ne, %convert_element_type3A, %cond3A : i32
        scf.if %cond3A_324 {
          "tpu.trace_start"() <{level = 10 : i32, message = "ep_copy_in"}> : () -> ()
          %rem3A_1094 = arith.constant 2 : i32
          %rem3A_1095 = arith.remui %scan3A_200, %rem3A_1094 : i32
          %jit3A_1096 = arith.constant 32 : i32
          %div3A_1097 = arith.divsi %add3A_227, %jit3A_1096 : i32
          %sign3A_1098 = arith.constant 0 : i32
          %sign3A_1099 = arith.cmpi sgt, %add3A_227, %sign3A_1098 : i32
          %sign3A_1100 = arith.extui %sign3A_1099 : i1 to i32
          %sign3A_1101 = arith.constant 0 : i32
          %sign3A_1102 = arith.cmpi slt, %add3A_227, %sign3A_1101 : i32
          %sign3A_1103 = arith.extui %sign3A_1102 : i1 to i32
          %sign3A_1104 = arith.subi %sign3A_1100, %sign3A_1103 : i32
          %sign3A_1105 = arith.constant 0 : i32
          %sign3A_1106 = arith.cmpi sgt, %jit3A_1096, %sign3A_1105 : i32
          %sign3A_1107 = arith.extui %sign3A_1106 : i1 to i32
          %sign3A_1108 = arith.constant 0 : i32
          %sign3A_1109 = arith.cmpi slt, %jit3A_1096, %sign3A_1108 : i32
          %sign3A_1110 = arith.extui %sign3A_1109 : i1 to i32
          %sign3A_1111 = arith.subi %sign3A_1107, %sign3A_1110 : i32
          %ne3A_1112 = arith.cmpi ne, %sign3A_1104, %sign3A_1111 : i32
          %rem3A_1113 = arith.remsi %add3A_227, %jit3A_1096 : i32
          %ne3A_1114 = arith.constant 0 : i32
          %ne3A_1115 = arith.cmpi ne, %rem3A_1113, %ne3A_1114 : i32
          %and3A_1116 = arith.andi %ne3A_1112, %ne3A_1115 : i1
          %sub3A_1117 = arith.constant 1 : i32
          %sub3A_1118 = arith.subi %div3A_1097, %sub3A_1117 : i32
          %select_n3A_1119 = arith.select %and3A_1116, %sub3A_1118, %div3A_1097 : i32
          %jit3A_1120 = arith.constant 32 : i32
          %eq3A_1121 = arith.constant 0 : i32
          %eq3A_1122 = arith.cmpi eq, %jit3A_1120, %eq3A_1121 : i32
          %jit3A_1123 = arith.constant 1 : i32
          %select_n3A_1124 = arith.select %eq3A_1122, %jit3A_1123, %jit3A_1120 : i32
          %rem3A_1125 = arith.remsi %add3A_227, %select_n3A_1124 : i32
          %ne3A_1126 = arith.constant 0 : i32
          %ne3A_1127 = arith.cmpi ne, %rem3A_1125, %ne3A_1126 : i32
          %lt3A_1128 = arith.constant 0 : i32
          %lt3A_1129 = arith.cmpi slt, %rem3A_1125, %lt3A_1128 : i32
          %lt3A_1130 = arith.constant 0 : i32
          %lt3A_1131 = arith.cmpi slt, %select_n3A_1124, %lt3A_1130 : i32
          %ne3A_1132 = arith.xori %lt3A_1129, %lt3A_1131 : i1
          %and3A_1133 = arith.andi %ne3A_1132, %ne3A_1127 : i1
          %add3A_1134 = arith.addi %rem3A_1125, %select_n3A_1124 : i32
          %select_n3A_1135 = arith.select %and3A_1133, %add3A_1134, %rem3A_1125 : i32
          %mul3A_1136 = arith.constant 1 : i32
          %mul3A_1137 = arith.muli %mul3A_1136, %select_n3A_1119 : i32
          %mul3A_1138 = arith.constant 512 : i32
          %mul3A_1139 = arith.muli %mul3A_1138, %select_n3A_1135 : i32
          %dma_start3A_1140 = arith.constant 0 : i32
          %dma_start3A_1141 = arith.constant 0 : i32
          %dma_start3A_1142 = tpu.memref_slice %run_scoped3A[%rem3A_1095, %dma_start3A_1140, %dma_start3A_1141] : memref<2x1x512xi32, #tpu.memory_space<vmem>> -> memref<1x1x512xi32, #tpu.memory_space<vmem>>
          %dma_start3A_1143 = tpu.memref_squeeze %dma_start3A_1142 : memref<1x1x512xi32, #tpu.memory_space<vmem>> -> memref<1x512xi32, #tpu.memory_space<vmem>>
          %dma_start3A_1144 = tpu.memref_slice %arg3[%mul3A_1137, %mul3A_1139] : memref<50x16384xi32, #tpu.memory_space<hbm>> -> memref<1x512xi32, #tpu.memory_space<hbm>>
          %dma_start3A_1145 = tpu.memref_slice %run_scoped3A_7[%rem3A_1095] : memref<2x!tpu.dma_semaphore, #tpu.memory_space<semaphore_mem>> -> memref<1x!tpu.dma_semaphore, #tpu.memory_space<semaphore_mem>>
          %dma_start3A_1146 = tpu.memref_squeeze %dma_start3A_1145 : memref<1x!tpu.dma_semaphore, #tpu.memory_space<semaphore_mem>> -> memref<!tpu.dma_semaphore, #tpu.memory_space<semaphore_mem>>
          %dma_start3A_1147 = arith.constant 0 : i32
          %dma_start3A_1148 = arith.constant 0 : i32
          %dma_start3A_1149 = tpu.memref_slice %run_scoped3A[%rem3A_1095, %dma_start3A_1147, %dma_start3A_1148] : memref<2x1x512xi32, #tpu.memory_space<vmem>> -> memref<1x1x512xi32, #tpu.memory_space<vmem>>
          %dma_start3A_1150 = tpu.memref_squeeze %dma_start3A_1149 : memref<1x1x512xi32, #tpu.memory_space<vmem>> -> memref<1x512xi32, #tpu.memory_space<vmem>>
          %dma_start3A_1151 = tpu.memref_slice %arg3[%mul3A_1137, %mul3A_1139] : memref<50x16384xi32, #tpu.memory_space<hbm>> -> memref<1x512xi32, #tpu.memory_space<hbm>>
          tpu.enqueue_dma source(%dma_start3A_1151 : memref<1x512xi32, #tpu.memory_space<hbm>>) target(%dma_start3A_1150 : memref<1x512xi32, #tpu.memory_space<vmem>>) target_semaphore(%dma_start3A_1146 : memref<!tpu.dma_semaphore, #tpu.memory_space<semaphore_mem>>)
          "tpu.trace_stop"() : () -> ()
        } else {
        }
        %and3A_325 = arith.constant true
        %and3A_326 = arith.andi %and3A_323, %and3A_325 : i1
        %add3A_327 = arith.constant 1 : i32
        %add3A_328 = arith.addi %scan3A_200, %add3A_327 : i32
        %select_n3A_329 = arith.select %and3A_326, %add3A_328, %scan3A_200 : i32
        %jit3A_330 = arith.constant 32 : i32
        %div3A_331 = arith.divsi %add3A_209, %jit3A_330 : i32
        %sign3A_332 = arith.constant 0 : i32
        %sign3A_333 = arith.cmpi sgt, %add3A_209, %sign3A_332 : i32
        %sign3A_334 = arith.extui %sign3A_333 : i1 to i32
        %sign3A_335 = arith.constant 0 : i32
        %sign3A_336 = arith.cmpi slt, %add3A_209, %sign3A_335 : i32
        %sign3A_337 = arith.extui %sign3A_336 : i1 to i32
        %sign3A_338 = arith.subi %sign3A_334, %sign3A_337 : i32
        %sign3A_339 = arith.constant 0 : i32
        %sign3A_340 = arith.cmpi sgt, %jit3A_330, %sign3A_339 : i32
        %sign3A_341 = arith.extui %sign3A_340 : i1 to i32
        %sign3A_342 = arith.constant 0 : i32
        %sign3A_343 = arith.cmpi slt, %jit3A_330, %sign3A_342 : i32
        %sign3A_344 = arith.extui %sign3A_343 : i1 to i32
        %sign3A_345 = arith.subi %sign3A_341, %sign3A_344 : i32
        %ne3A_346 = arith.cmpi ne, %sign3A_338, %sign3A_345 : i32
        %rem3A_347 = arith.remsi %add3A_209, %jit3A_330 : i32
        %ne3A_348 = arith.constant 0 : i32
        %ne3A_349 = arith.cmpi ne, %rem3A_347, %ne3A_348 : i32
        %and3A_350 = arith.andi %ne3A_346, %ne3A_349 : i1
        %sub3A_351 = arith.constant 1 : i32
        %sub3A_352 = arith.subi %div3A_331, %sub3A_351 : i32
        %select_n3A_353 = arith.select %and3A_350, %sub3A_352, %div3A_331 : i32
        %jit3A_354 = arith.constant 32 : i32
        %eq3A_355 = arith.constant 0 : i32
        %eq3A_356 = arith.cmpi eq, %jit3A_354, %eq3A_355 : i32
        %jit3A_357 = arith.constant 1 : i32
        %select_n3A_358 = arith.select %eq3A_356, %jit3A_357, %jit3A_354 : i32
        %rem3A_359 = arith.remsi %add3A_209, %select_n3A_358 : i32
        %ne3A_360 = arith.constant 0 : i32
        %ne3A_361 = arith.cmpi ne, %rem3A_359, %ne3A_360 : i32
        %lt3A_362 = arith.constant 0 : i32
        %lt3A_363 = arith.cmpi slt, %rem3A_359, %lt3A_362 : i32
        %lt3A_364 = arith.constant 0 : i32
        %lt3A_365 = arith.cmpi slt, %select_n3A_358, %lt3A_364 : i32
        %ne3A_366 = arith.xori %lt3A_363, %lt3A_365 : i1
        %and3A_367 = arith.andi %ne3A_366, %ne3A_361 : i1
        %add3A_368 = arith.addi %rem3A_359, %select_n3A_358 : i32
        %select_n3A_369 = arith.select %and3A_367, %add3A_368, %rem3A_359 : i32
        %jit3A_370 = arith.constant 32 : i32
        %div3A_371 = arith.divsi %add3A_227, %jit3A_370 : i32
        %sign3A_372 = arith.constant 0 : i32
        %sign3A_373 = arith.cmpi sgt, %add3A_227, %sign3A_372 : i32
        %sign3A_374 = arith.extui %sign3A_373 : i1 to i32
        %sign3A_375 = arith.constant 0 : i32
        %sign3A_376 = arith.cmpi slt, %add3A_227, %sign3A_375 : i32
        %sign3A_377 = arith.extui %sign3A_376 : i1 to i32
        %sign3A_378 = arith.subi %sign3A_374, %sign3A_377 : i32
        %sign3A_379 = arith.constant 0 : i32
        %sign3A_380 = arith.cmpi sgt, %jit3A_370, %sign3A_379 : i32
        %sign3A_381 = arith.extui %sign3A_380 : i1 to i32
        %sign3A_382 = arith.constant 0 : i32
        %sign3A_383 = arith.cmpi slt, %jit3A_370, %sign3A_382 : i32
        %sign3A_384 = arith.extui %sign3A_383 : i1 to i32
        %sign3A_385 = arith.subi %sign3A_381, %sign3A_384 : i32
        %ne3A_386 = arith.cmpi ne, %sign3A_378, %sign3A_385 : i32
        %rem3A_387 = arith.remsi %add3A_227, %jit3A_370 : i32
        %ne3A_388 = arith.constant 0 : i32
        %ne3A_389 = arith.cmpi ne, %rem3A_387, %ne3A_388 : i32
        %and3A_390 = arith.andi %ne3A_386, %ne3A_389 : i1
        %sub3A_391 = arith.constant 1 : i32
        %sub3A_392 = arith.subi %div3A_371, %sub3A_391 : i32
        %select_n3A_393 = arith.select %and3A_390, %sub3A_392, %div3A_371 : i32
        %jit3A_394 = arith.constant 32 : i32
        %eq3A_395 = arith.constant 0 : i32
        %eq3A_396 = arith.cmpi eq, %jit3A_394, %eq3A_395 : i32
        %jit3A_397 = arith.constant 1 : i32
        %select_n3A_398 = arith.select %eq3A_396, %jit3A_397, %jit3A_394 : i32
        %rem3A_399 = arith.remsi %add3A_227, %select_n3A_398 : i32
        %ne3A_400 = arith.constant 0 : i32
        %ne3A_401 = arith.cmpi ne, %rem3A_399, %ne3A_400 : i32
        %lt3A_402 = arith.constant 0 : i32
        %lt3A_403 = arith.cmpi slt, %rem3A_399, %lt3A_402 : i32
        %lt3A_404 = arith.constant 0 : i32
        %lt3A_405 = arith.cmpi slt, %select_n3A_398, %lt3A_404 : i32
        %ne3A_406 = arith.xori %lt3A_403, %lt3A_405 : i1
        %and3A_407 = arith.andi %ne3A_406, %ne3A_401 : i1
        %add3A_408 = arith.addi %rem3A_399, %select_n3A_398 : i32
        %select_n3A_409 = arith.select %and3A_407, %add3A_408, %rem3A_399 : i32
        %ne3A_410 = arith.cmpi ne, %select_n3A_353, %select_n3A_393 : i32
        %ne3A_411 = arith.cmpi ne, %select_n3A_369, %select_n3A_409 : i32
        %or3A_412 = arith.constant false
        %or3A_413 = arith.ori %or3A_412, %ne3A_410 : i1
        %or3A_414 = arith.constant false
        %or3A_415 = arith.ori %or3A_413, %or3A_414 : i1
        %or3A_416 = arith.ori %or3A_415, %ne3A_411 : i1
        %ge3A_417 = arith.constant 49 : i32
        %ge3A_418 = arith.cmpi sge, %scan3A_199, %ge3A_417 : i32
        %not3A_419 = arith.constant true
        %not3A_420 = arith.xori %ge3A_418, %not3A_419 : i1
        %and3A_421 = arith.andi %or3A_416, %not3A_420 : i1
        %jit3A_422 = arith.constant 32 : i32
        %div3A_423 = arith.divsi %add3A_209, %jit3A_422 : i32
        %sign3A_424 = arith.constant 0 : i32
        %sign3A_425 = arith.cmpi sgt, %add3A_209, %sign3A_424 : i32
        %sign3A_426 = arith.extui %sign3A_425 : i1 to i32
        %sign3A_427 = arith.constant 0 : i32
        %sign3A_428 = arith.cmpi slt, %add3A_209, %sign3A_427 : i32
        %sign3A_429 = arith.extui %sign3A_428 : i1 to i32
        %sign3A_430 = arith.subi %sign3A_426, %sign3A_429 : i32
        %sign3A_431 = arith.constant 0 : i32
        %sign3A_432 = arith.cmpi sgt, %jit3A_422, %sign3A_431 : i32
        %sign3A_433 = arith.extui %sign3A_432 : i1 to i32
        %sign3A_434 = arith.constant 0 : i32
        %sign3A_435 = arith.cmpi slt, %jit3A_422, %sign3A_434 : i32
        %sign3A_436 = arith.extui %sign3A_435 : i1 to i32
        %sign3A_437 = arith.subi %sign3A_433, %sign3A_436 : i32
        %ne3A_438 = arith.cmpi ne, %sign3A_430, %sign3A_437 : i32
        %rem3A_439 = arith.remsi %add3A_209, %jit3A_422 : i32
        %ne3A_440 = arith.constant 0 : i32
        %ne3A_441 = arith.cmpi ne, %rem3A_439, %ne3A_440 : i32
        %and3A_442 = arith.andi %ne3A_438, %ne3A_441 : i1
        %sub3A_443 = arith.constant 1 : i32
        %sub3A_444 = arith.subi %div3A_423, %sub3A_443 : i32
        %select_n3A_445 = arith.select %and3A_442, %sub3A_444, %div3A_423 : i32
        %jit3A_446 = arith.constant 32 : i32
        %eq3A_447 = arith.constant 0 : i32
        %eq3A_448 = arith.cmpi eq, %jit3A_446, %eq3A_447 : i32
        %jit3A_449 = arith.constant 1 : i32
        %select_n3A_450 = arith.select %eq3A_448, %jit3A_449, %jit3A_446 : i32
        %rem3A_451 = arith.remsi %add3A_209, %select_n3A_450 : i32
        %ne3A_452 = arith.constant 0 : i32
        %ne3A_453 = arith.cmpi ne, %rem3A_451, %ne3A_452 : i32
        %lt3A_454 = arith.constant 0 : i32
        %lt3A_455 = arith.cmpi slt, %rem3A_451, %lt3A_454 : i32
        %lt3A_456 = arith.constant 0 : i32
        %lt3A_457 = arith.cmpi slt, %select_n3A_450, %lt3A_456 : i32
        %ne3A_458 = arith.xori %lt3A_455, %lt3A_457 : i1
        %and3A_459 = arith.andi %ne3A_458, %ne3A_453 : i1
        %add3A_460 = arith.addi %rem3A_451, %select_n3A_450 : i32
        %select_n3A_461 = arith.select %and3A_459, %add3A_460, %rem3A_451 : i32
        %jit3A_462 = arith.constant 32 : i32
        %div3A_463 = arith.divsi %add3A_218, %jit3A_462 : i32
        %sign3A_464 = arith.constant 0 : i32
        %sign3A_465 = arith.cmpi sgt, %add3A_218, %sign3A_464 : i32
        %sign3A_466 = arith.extui %sign3A_465 : i1 to i32
        %sign3A_467 = arith.constant 0 : i32
        %sign3A_468 = arith.cmpi slt, %add3A_218, %sign3A_467 : i32
        %sign3A_469 = arith.extui %sign3A_468 : i1 to i32
        %sign3A_470 = arith.subi %sign3A_466, %sign3A_469 : i32
        %sign3A_471 = arith.constant 0 : i32
        %sign3A_472 = arith.cmpi sgt, %jit3A_462, %sign3A_471 : i32
        %sign3A_473 = arith.extui %sign3A_472 : i1 to i32
        %sign3A_474 = arith.constant 0 : i32
        %sign3A_475 = arith.cmpi slt, %jit3A_462, %sign3A_474 : i32
        %sign3A_476 = arith.extui %sign3A_475 : i1 to i32
        %sign3A_477 = arith.subi %sign3A_473, %sign3A_476 : i32
        %ne3A_478 = arith.cmpi ne, %sign3A_470, %sign3A_477 : i32
        %rem3A_479 = arith.remsi %add3A_218, %jit3A_462 : i32
        %ne3A_480 = arith.constant 0 : i32
        %ne3A_481 = arith.cmpi ne, %rem3A_479, %ne3A_480 : i32
        %and3A_482 = arith.andi %ne3A_478, %ne3A_481 : i1
        %sub3A_483 = arith.constant 1 : i32
        %sub3A_484 = arith.subi %div3A_463, %sub3A_483 : i32
        %select_n3A_485 = arith.select %and3A_482, %sub3A_484, %div3A_463 : i32
        %jit3A_486 = arith.constant 32 : i32
        %eq3A_487 = arith.constant 0 : i32
        %eq3A_488 = arith.cmpi eq, %jit3A_486, %eq3A_487 : i32
        %jit3A_489 = arith.constant 1 : i32
        %select_n3A_490 = arith.select %eq3A_488, %jit3A_489, %jit3A_486 : i32
        %rem3A_491 = arith.remsi %add3A_218, %select_n3A_490 : i32
        %ne3A_492 = arith.constant 0 : i32
        %ne3A_493 = arith.cmpi ne, %rem3A_491, %ne3A_492 : i32
        %lt3A_494 = arith.constant 0 : i32
        %lt3A_495 = arith.cmpi slt, %rem3A_491, %lt3A_494 : i32
        %lt3A_496 = arith.constant 0 : i32
        %lt3A_497 = arith.cmpi slt, %select_n3A_490, %lt3A_496 : i32
        %ne3A_498 = arith.xori %lt3A_495, %lt3A_497 : i1
        %and3A_499 = arith.andi %ne3A_498, %ne3A_493 : i1
        %add3A_500 = arith.addi %rem3A_491, %select_n3A_490 : i32
        %select_n3A_501 = arith.select %and3A_499, %add3A_500, %rem3A_491 : i32
        %ne3A_502 = arith.cmpi ne, %select_n3A_445, %select_n3A_485 : i32
        %ne3A_503 = arith.cmpi ne, %select_n3A_461, %select_n3A_501 : i32
        %or3A_504 = arith.constant false
        %or3A_505 = arith.ori %or3A_504, %ne3A_502 : i1
        %or3A_506 = arith.ori %or3A_505, %ne3A_503 : i1
        %or3A_507 = arith.ori %or3A_506, %eq3A_206 : i1
        %convert_element_type3A_508 = arith.extui %or3A_507 : i1 to i32
        %cond3A_509 = arith.constant 0 : i32
        %cond3A_510 = arith.cmpi ne, %convert_element_type3A_508, %cond3A_509 : i32
        scf.if %cond3A_510 {
          %jit3A_1094 = arith.constant 32 : i32
          "tpu.trace_start"() <{level = 10 : i32, message = "ep_wait_in"}> : () -> ()
          %div3A_1095 = arith.divsi %add3A_209, %jit3A_1094 : i32
          %sign3A_1096 = arith.constant 0 : i32
          %sign3A_1097 = arith.cmpi sgt, %add3A_209, %sign3A_1096 : i32
          %sign3A_1098 = arith.extui %sign3A_1097 : i1 to i32
          %sign3A_1099 = arith.constant 0 : i32
          %sign3A_1100 = arith.cmpi slt, %add3A_209, %sign3A_1099 : i32
          %sign3A_1101 = arith.extui %sign3A_1100 : i1 to i32
          %sign3A_1102 = arith.subi %sign3A_1098, %sign3A_1101 : i32
          %sign3A_1103 = arith.constant 0 : i32
          %sign3A_1104 = arith.cmpi sgt, %jit3A_1094, %sign3A_1103 : i32
          %sign3A_1105 = arith.extui %sign3A_1104 : i1 to i32
          %sign3A_1106 = arith.constant 0 : i32
          %sign3A_1107 = arith.cmpi slt, %jit3A_1094, %sign3A_1106 : i32
          %sign3A_1108 = arith.extui %sign3A_1107 : i1 to i32
          %sign3A_1109 = arith.subi %sign3A_1105, %sign3A_1108 : i32
          %ne3A_1110 = arith.cmpi ne, %sign3A_1102, %sign3A_1109 : i32
          %rem3A_1111 = arith.remsi %add3A_209, %jit3A_1094 : i32
          %ne3A_1112 = arith.constant 0 : i32
          %ne3A_1113 = arith.cmpi ne, %rem3A_1111, %ne3A_1112 : i32
          %and3A_1114 = arith.andi %ne3A_1110, %ne3A_1113 : i1
          %sub3A_1115 = arith.constant 1 : i32
          %sub3A_1116 = arith.subi %div3A_1095, %sub3A_1115 : i32
          %select_n3A_1117 = arith.select %and3A_1114, %sub3A_1116, %div3A_1095 : i32
          %jit3A_1118 = arith.constant 32 : i32
          %eq3A_1119 = arith.constant 0 : i32
          %eq3A_1120 = arith.cmpi eq, %jit3A_1118, %eq3A_1119 : i32
          %jit3A_1121 = arith.constant 1 : i32
          %select_n3A_1122 = arith.select %eq3A_1120, %jit3A_1121, %jit3A_1118 : i32
          %rem3A_1123 = arith.remsi %add3A_209, %select_n3A_1122 : i32
          %ne3A_1124 = arith.constant 0 : i32
          %ne3A_1125 = arith.cmpi ne, %rem3A_1123, %ne3A_1124 : i32
          %lt3A_1126 = arith.constant 0 : i32
          %lt3A_1127 = arith.cmpi slt, %rem3A_1123, %lt3A_1126 : i32
          %lt3A_1128 = arith.constant 0 : i32
          %lt3A_1129 = arith.cmpi slt, %select_n3A_1122, %lt3A_1128 : i32
          %ne3A_1130 = arith.xori %lt3A_1127, %lt3A_1129 : i1
          %and3A_1131 = arith.andi %ne3A_1130, %ne3A_1125 : i1
          %add3A_1132 = arith.addi %rem3A_1123, %select_n3A_1122 : i32
          %select_n3A_1133 = arith.select %and3A_1131, %add3A_1132, %rem3A_1123 : i32
          %mul3A_1134 = arith.constant 1 : i32
          %mul3A_1135 = arith.muli %mul3A_1134, %select_n3A_1117 : i32
          %mul3A_1136 = arith.constant 512 : i32
          %mul3A_1137 = arith.muli %mul3A_1136, %select_n3A_1133 : i32
          %rem3A_1138 = arith.constant 2 : i32
          %rem3A_1139 = arith.remui %scan3A_201, %rem3A_1138 : i32
          %dma_wait3A_1140 = arith.constant 0 : i32
          %dma_wait3A_1141 = arith.constant 0 : i32
          %dma_wait3A_1142 = tpu.memref_slice %run_scoped3A[%rem3A_1139, %dma_wait3A_1140, %dma_wait3A_1141] : memref<2x1x512xi32, #tpu.memory_space<vmem>> -> memref<1x1x512xi32, #tpu.memory_space<vmem>>
          %dma_wait3A_1143 = tpu.memref_squeeze %dma_wait3A_1142 : memref<1x1x512xi32, #tpu.memory_space<vmem>> -> memref<1x512xi32, #tpu.memory_space<vmem>>
          %dma_wait3A_1144 = tpu.memref_slice %arg3[%mul3A_1135, %mul3A_1137] : memref<50x16384xi32, #tpu.memory_space<hbm>> -> memref<1x512xi32, #tpu.memory_space<hbm>>
          %dma_wait3A_1145 = tpu.memref_slice %run_scoped3A_7[%rem3A_1139] : memref<2x!tpu.dma_semaphore, #tpu.memory_space<semaphore_mem>> -> memref<1x!tpu.dma_semaphore, #tpu.memory_space<semaphore_mem>>
          %dma_wait3A_1146 = tpu.memref_squeeze %dma_wait3A_1145 : memref<1x!tpu.dma_semaphore, #tpu.memory_space<semaphore_mem>> -> memref<!tpu.dma_semaphore, #tpu.memory_space<semaphore_mem>>
          %dma_wait3A_1147 = arith.constant 0 : i32
          %dma_wait3A_1148 = arith.constant 0 : i32
          %dma_wait3A_1149 = tpu.memref_slice %run_scoped3A[%rem3A_1139, %dma_wait3A_1147, %dma_wait3A_1148] : memref<2x1x512xi32, #tpu.memory_space<vmem>> -> memref<1x1x512xi32, #tpu.memory_space<vmem>>
          %dma_wait3A_1150 = tpu.memref_squeeze %dma_wait3A_1149 : memref<1x1x512xi32, #tpu.memory_space<vmem>> -> memref<1x512xi32, #tpu.memory_space<vmem>>
          %dma_wait3A_1151 = tpu.memref_slice %arg3[%mul3A_1135, %mul3A_1137] : memref<50x16384xi32, #tpu.memory_space<hbm>> -> memref<1x512xi32, #tpu.memory_space<hbm>>
          tpu.wait_dma2 semaphore(%dma_wait3A_1146 : memref<!tpu.dma_semaphore, #tpu.memory_space<semaphore_mem>>) src(%dma_wait3A_1151 : memref<1x512xi32, #tpu.memory_space<hbm>>) dst(%dma_wait3A_1150 : memref<1x512xi32, #tpu.memory_space<vmem>>)
          "tpu.trace_stop"() : () -> ()
        } else {
        }
        %jit3A_511 = arith.constant 32 : i32
        %div3A_512 = arith.divsi %add3A_209, %jit3A_511 : i32
        %sign3A_513 = arith.constant 0 : i32
        %sign3A_514 = arith.cmpi sgt, %add3A_209, %sign3A_513 : i32
        %sign3A_515 = arith.extui %sign3A_514 : i1 to i32
        %sign3A_516 = arith.constant 0 : i32
        %sign3A_517 = arith.cmpi slt, %add3A_209, %sign3A_516 : i32
        %sign3A_518 = arith.extui %sign3A_517 : i1 to i32
        %sign3A_519 = arith.subi %sign3A_515, %sign3A_518 : i32
        %sign3A_520 = arith.constant 0 : i32
        %sign3A_521 = arith.cmpi sgt, %jit3A_511, %sign3A_520 : i32
        %sign3A_522 = arith.extui %sign3A_521 : i1 to i32
        %sign3A_523 = arith.constant 0 : i32
        %sign3A_524 = arith.cmpi slt, %jit3A_511, %sign3A_523 : i32
        %sign3A_525 = arith.extui %sign3A_524 : i1 to i32
        %sign3A_526 = arith.subi %sign3A_522, %sign3A_525 : i32
        %ne3A_527 = arith.cmpi ne, %sign3A_519, %sign3A_526 : i32
        %rem3A_528 = arith.remsi %add3A_209, %jit3A_511 : i32
        %ne3A_529 = arith.constant 0 : i32
        %ne3A_530 = arith.cmpi ne, %rem3A_528, %ne3A_529 : i32
        %and3A_531 = arith.andi %ne3A_527, %ne3A_530 : i1
        %sub3A_532 = arith.constant 1 : i32
        %sub3A_533 = arith.subi %div3A_512, %sub3A_532 : i32
        %select_n3A_534 = arith.select %and3A_531, %sub3A_533, %div3A_512 : i32
        %jit3A_535 = arith.constant 32 : i32
        %eq3A_536 = arith.constant 0 : i32
        %eq3A_537 = arith.cmpi eq, %jit3A_535, %eq3A_536 : i32
        %jit3A_538 = arith.constant 1 : i32
        %select_n3A_539 = arith.select %eq3A_537, %jit3A_538, %jit3A_535 : i32
        %rem3A_540 = arith.remsi %add3A_209, %select_n3A_539 : i32
        %ne3A_541 = arith.constant 0 : i32
        %ne3A_542 = arith.cmpi ne, %rem3A_540, %ne3A_541 : i32
        %lt3A_543 = arith.constant 0 : i32
        %lt3A_544 = arith.cmpi slt, %rem3A_540, %lt3A_543 : i32
        %lt3A_545 = arith.constant 0 : i32
        %lt3A_546 = arith.cmpi slt, %select_n3A_539, %lt3A_545 : i32
        %ne3A_547 = arith.xori %lt3A_544, %lt3A_546 : i1
        %and3A_548 = arith.andi %ne3A_547, %ne3A_542 : i1
        %add3A_549 = arith.addi %rem3A_540, %select_n3A_539 : i32
        %select_n3A_550 = arith.select %and3A_548, %add3A_549, %rem3A_540 : i32
        %jit3A_551 = arith.constant 32 : i32
        %div3A_552 = arith.divsi %add3A_218, %jit3A_551 : i32
        %sign3A_553 = arith.constant 0 : i32
        %sign3A_554 = arith.cmpi sgt, %add3A_218, %sign3A_553 : i32
        %sign3A_555 = arith.extui %sign3A_554 : i1 to i32
        %sign3A_556 = arith.constant 0 : i32
        %sign3A_557 = arith.cmpi slt, %add3A_218, %sign3A_556 : i32
        %sign3A_558 = arith.extui %sign3A_557 : i1 to i32
        %sign3A_559 = arith.subi %sign3A_555, %sign3A_558 : i32
        %sign3A_560 = arith.constant 0 : i32
        %sign3A_561 = arith.cmpi sgt, %jit3A_551, %sign3A_560 : i32
        %sign3A_562 = arith.extui %sign3A_561 : i1 to i32
        %sign3A_563 = arith.constant 0 : i32
        %sign3A_564 = arith.cmpi slt, %jit3A_551, %sign3A_563 : i32
        %sign3A_565 = arith.extui %sign3A_564 : i1 to i32
        %sign3A_566 = arith.subi %sign3A_562, %sign3A_565 : i32
        %ne3A_567 = arith.cmpi ne, %sign3A_559, %sign3A_566 : i32
        %rem3A_568 = arith.remsi %add3A_218, %jit3A_551 : i32
        %ne3A_569 = arith.constant 0 : i32
        %ne3A_570 = arith.cmpi ne, %rem3A_568, %ne3A_569 : i32
        %and3A_571 = arith.andi %ne3A_567, %ne3A_570 : i1
        %sub3A_572 = arith.constant 1 : i32
        %sub3A_573 = arith.subi %div3A_552, %sub3A_572 : i32
        %select_n3A_574 = arith.select %and3A_571, %sub3A_573, %div3A_552 : i32
        %jit3A_575 = arith.constant 32 : i32
        %eq3A_576 = arith.constant 0 : i32
        %eq3A_577 = arith.cmpi eq, %jit3A_575, %eq3A_576 : i32
        %jit3A_578 = arith.constant 1 : i32
        %select_n3A_579 = arith.select %eq3A_577, %jit3A_578, %jit3A_575 : i32
        %rem3A_580 = arith.remsi %add3A_218, %select_n3A_579 : i32
        %ne3A_581 = arith.constant 0 : i32
        %ne3A_582 = arith.cmpi ne, %rem3A_580, %ne3A_581 : i32
        %lt3A_583 = arith.constant 0 : i32
        %lt3A_584 = arith.cmpi slt, %rem3A_580, %lt3A_583 : i32
        %lt3A_585 = arith.constant 0 : i32
        %lt3A_586 = arith.cmpi slt, %select_n3A_579, %lt3A_585 : i32
        %ne3A_587 = arith.xori %lt3A_584, %lt3A_586 : i1
        %and3A_588 = arith.andi %ne3A_587, %ne3A_582 : i1
        %add3A_589 = arith.addi %rem3A_580, %select_n3A_579 : i32
        %select_n3A_590 = arith.select %and3A_588, %add3A_589, %rem3A_580 : i32
        %ne3A_591 = arith.cmpi ne, %select_n3A_534, %select_n3A_574 : i32
        %ne3A_592 = arith.cmpi ne, %select_n3A_550, %select_n3A_590 : i32
        %or3A_593 = arith.constant false
        %or3A_594 = arith.ori %or3A_593, %ne3A_591 : i1
        %or3A_595 = arith.constant false
        %or3A_596 = arith.ori %or3A_594, %or3A_595 : i1
        %or3A_597 = arith.ori %or3A_596, %ne3A_592 : i1
        %or3A_598 = arith.ori %or3A_597, %eq3A_206 : i1
        %convert_element_type3A_599 = arith.extui %or3A_598 : i1 to i32
        %cond3A_600 = arith.constant 0 : i32
        %cond3A_601 = arith.cmpi ne, %convert_element_type3A_599, %cond3A_600 : i32
        scf.if %cond3A_601 {
        } else {
        }
        %rem3A_602 = arith.constant 2 : i32
        %rem3A_603 = arith.remui %scan3A_201, %rem3A_602 : i32
        %rem3A_604 = arith.constant 2 : i32
        %rem3A_605 = arith.remui %scan3A_202, %rem3A_604 : i32
        "tpu.trace_start"() <{level = 10 : i32, message = "ep_run_kernel"}> : () -> ()
        %scan3A_606 = arith.constant 0 : i32
        %scan3A_607 = arith.constant 32 : i32
        %scan3A_608 = arith.addi %scan3A_606, %scan3A_607 : i32
        %scan3A_609 = arith.constant 1 : i32
        scf.for %scan3A_1094 = %scan3A_606 to %scan3A_608 step %scan3A_609  : i32 {
          %mul3A_1095 = arith.constant 1 : i32
          %mul3A_1096 = arith.muli %scan3A_1094, %mul3A_1095 : i32
          %add3A_1097 = arith.constant 0 : i32
          %add3A_1098 = arith.addi %add3A_1097, %mul3A_1096 : i32
          %mul3A_1099 = arith.constant 16 : i32
          %mul3A_1100 = arith.muli %add3A_1098, %mul3A_1099 : i32
          %get3A = arith.constant 0 : i32
          %get3A_1101 = arith.constant 0 : i32
          %get3A_1102 = arith.constant 0 : i32
          %get3A_1103 = tpu.memref_slice %run_scoped3A[%rem3A_603, %get3A_1101, %get3A_1102] : memref<2x1x512xi32, #tpu.memory_space<vmem>> -> memref<1x1x512xi32, #tpu.memory_space<vmem>>
          %get3A_1104 = tpu.memref_squeeze %get3A_1103 : memref<1x1x512xi32, #tpu.memory_space<vmem>> -> memref<1x512xi32, #tpu.memory_space<vmem>>
          %get3A_1105 = arith.index_cast %get3A : i32 to index
          %get3A_1106 = arith.index_cast %mul3A_1100 : i32 to index
          %get3A_1107 = tpu.vector_load %get3A_1104[%get3A_1105, %get3A_1106] {strides = array<i32>} : memref<1x512xi32, #tpu.memory_space<vmem>>, vector<16xi32>,
          %shift_right_arithmetic3A = arith.constant 3 : i32
          %shift_right_arithmetic3A_1108 = vector.broadcast %shift_right_arithmetic3A : i32 to vector<16xi32>
          %shift_right_arithmetic3A_1109 = arith.shrsi %get3A_1107, %shift_right_arithmetic3A_1108 : vector<16xi32>
          %mul3A_1110 = arith.constant 16 : i32
          %mul3A_1111 = arith.muli %add3A_1098, %mul3A_1110 : i32
          %swap3A = arith.index_cast %mul3A_1111 : i32 to index
          %swap3A_1112 = tpu.vector_load %arg5[%swap3A] {strides = array<i32>} : memref<512xi32, #tpu.memory_space<vmem>>, vector<16xi32>,
          tpu.vector_store %arg5[%swap3A], %shift_right_arithmetic3A_1109 {strides = array<i32>} : memref<512xi32, #tpu.memory_space<vmem>>, vector<16xi32>,
          %and3A_1113 = arith.constant 7 : i32
          %and3A_1114 = vector.broadcast %and3A_1113 : i32 to vector<16xi32>
          %and3A_1115 = arith.andi %get3A_1107, %and3A_1114 : vector<16xi32>
          %mul3A_1116 = arith.constant 16 : i32
          %mul3A_1117 = vector.broadcast %mul3A_1116 : i32 to vector<16xi32>
          %mul3A_1118 = arith.muli %and3A_1115, %mul3A_1117 : vector<16xi32>
          %mul3A_1119 = arith.constant 16 : i32
          %mul3A_1120 = arith.muli %add3A_1098, %mul3A_1119 : i32
          %swap3A_1121 = arith.index_cast %mul3A_1120 : i32 to index
          %swap3A_1122 = tpu.vector_load %arg6[%swap3A_1121] {strides = array<i32>} : memref<512xi32, #tpu.memory_space<vmem>>, vector<16xi32>,
          tpu.vector_store %arg6[%swap3A_1121], %mul3A_1118 {strides = array<i32>} : memref<512xi32, #tpu.memory_space<vmem>>, vector<16xi32>,
        }
        %scan3A_610 = arith.constant 32 : i32
        %dma_start3A_611 = arith.constant 0 : i32
        %dma_start3A_612 = arith.constant 0 : i32
        %dma_start3A_613 = tpu.memref_slice %arg2[%dma_start3A_611, %dma_start3A_612] : memref<125000x128xf32, #tpu.memory_space<hbm>> -> memref<125000x128xf32, #tpu.memory_space<hbm>>
        tpu.enqueue_indirect_dma source(%dma_start3A_613 : memref<125000x128xf32, #tpu.memory_space<hbm>>) target(%arg7 : memref<512x128xf32, #tpu.memory_space<vmem>>) offsets(%arg5 : memref<512xi32, #tpu.memory_space<vmem>>) semaphore(%arg8 : memref<!tpu.dma_semaphore, #tpu.memory_space<semaphore_mem>>)
        %dma_wait3A_614 = arith.constant 0 : i32
        %dma_wait3A_615 = arith.constant 0 : i32
        %dma_wait3A_616 = tpu.memref_slice %arg2[%dma_wait3A_614, %dma_wait3A_615] : memref<125000x128xf32, #tpu.memory_space<hbm>> -> memref<125000x128xf32, #tpu.memory_space<hbm>>
        tpu.wait_indirect_dma semaphore(%arg8 : memref<!tpu.dma_semaphore, #tpu.memory_space<semaphore_mem>>) src(%dma_wait3A_616 : memref<125000x128xf32, #tpu.memory_space<hbm>>) dst(%arg7 : memref<512x128xf32, #tpu.memory_space<vmem>>)
        %parallel_loop3A = arith.constant 0 : i32
        %parallel_loop3A_617 = arith.constant 32 : i32
        %parallel_loop3A_618 = arith.constant 1 : i32
        scf.for %parallel_loop3A_1094 = %parallel_loop3A to %parallel_loop3A_617 step %parallel_loop3A_618  : i32 {
          %parallel_loop3A_1095 = arith.constant 16 : i32
          %parallel_loop3A_1096 = arith.muli %parallel_loop3A_1094, %parallel_loop3A_1095 : i32
          %parallel_loop3A_1097 = tpu.iota {dimensions = array<i32: 0>} : vector<16xi32>
          %parallel_loop3A_1098 = vector.broadcast %parallel_loop3A_1096 : i32 to vector<16xi32>
          %parallel_loop3A_1099 = arith.addi %parallel_loop3A_1098, %parallel_loop3A_1097 : vector<16xi32>
          %parallel_loop3A_1100 = arith.constant 16 : i32
          %parallel_loop3A_1101 = arith.muli %parallel_loop3A_1094, %parallel_loop3A_1100 : i32
          %parallel_loop3A_1102 = arith.index_cast %parallel_loop3A_1101 : i32 to index
          %parallel_loop3A_1103 = tpu.vector_load %arg6[%parallel_loop3A_1102] {strides = array<i32>} : memref<512xi32, #tpu.memory_space<vmem>>, vector<16xi32>,
          %parallel_loop3A_1104 = arith.constant 0 : i32
          %parallel_loop3A_1105 = arith.constant 16 : i32
          %parallel_loop3A_1106 = arith.constant 1 : i32
          scf.for %parallel_loop3A_1107 = %parallel_loop3A_1104 to %parallel_loop3A_1105 step %parallel_loop3A_1106  : i32 {
            %parallel_loop3A_1108 = vector.broadcast %parallel_loop3A_1107 : i32 to vector<16xi32>
            %parallel_loop3A_1109 = arith.addi %parallel_loop3A_1103, %parallel_loop3A_1108 : vector<16xi32>
            %parallel_loop3A_1110 = tpu.vector_load_idx %arg7[%parallel_loop3A_1099, %parallel_loop3A_1109] : memref<512x128xf32, #tpu.memory_space<vmem>>[vector<16xi32>, vector<16xi32>], vector<16xf32>,
            %parallel_loop3A_1111 = arith.constant 16 : i32
            %parallel_loop3A_1112 = arith.muli %parallel_loop3A_1094, %parallel_loop3A_1111 : i32
            %parallel_loop3A_1113 = arith.constant 0 : i32
            %parallel_loop3A_1114 = arith.constant 0 : i32
            %parallel_loop3A_1115 = arith.constant 0 : i32
            %parallel_loop3A_1116 = arith.constant 0 : i32
            %parallel_loop3A_1117 = tpu.memref_slice %run_scoped3A_8[%rem3A_605, %parallel_loop3A_1114, %parallel_loop3A_1115, %parallel_loop3A_1116] : memref<2x1x16x512xf32, #tpu.memory_space<vmem>> -> memref<1x1x16x512xf32, #tpu.memory_space<vmem>>
            %parallel_loop3A_1118 = tpu.memref_squeeze %parallel_loop3A_1117 : memref<1x1x16x512xf32, #tpu.memory_space<vmem>> -> memref<1x16x512xf32, #tpu.memory_space<vmem>>
            %parallel_loop3A_1119 = arith.index_cast %parallel_loop3A_1113 : i32 to index
            %parallel_loop3A_1120 = arith.index_cast %parallel_loop3A_1107 : i32 to index
            %parallel_loop3A_1121 = arith.index_cast %parallel_loop3A_1112 : i32 to index
            %parallel_loop3A_1122 = tpu.vector_load %parallel_loop3A_1118[%parallel_loop3A_1119, %parallel_loop3A_1120, %parallel_loop3A_1121] {strides = array<i32>} : memref<1x16x512xf32, #tpu.memory_space<vmem>>, vector<16xf32>,
            tpu.vector_store %parallel_loop3A_1118[%parallel_loop3A_1119, %parallel_loop3A_1120, %parallel_loop3A_1121], %parallel_loop3A_1110 {strides = array<i32>} : memref<1x16x512xf32, #tpu.memory_space<vmem>>, vector<16xf32>,
          } {sc.loop_unroll_factor = 4 : i64, sc.parallel_access}
        } {sc.loop_unroll_factor = 2 : i64, sc.parallel_access}
        %jit3A_619 = arith.constant 32 : i32
        "tpu.trace_stop"() : () -> ()
        %div3A_620 = arith.divsi %add3A_209, %jit3A_619 : i32
        %sign3A_621 = arith.constant 0 : i32
        %sign3A_622 = arith.cmpi sgt, %add3A_209, %sign3A_621 : i32
        %sign3A_623 = arith.extui %sign3A_622 : i1 to i32
        %sign3A_624 = arith.constant 0 : i32
        %sign3A_625 = arith.cmpi slt, %add3A_209, %sign3A_624 : i32
        %sign3A_626 = arith.extui %sign3A_625 : i1 to i32
        %sign3A_627 = arith.subi %sign3A_623, %sign3A_626 : i32
        %sign3A_628 = arith.constant 0 : i32
        %sign3A_629 = arith.cmpi sgt, %jit3A_619, %sign3A_628 : i32
        %sign3A_630 = arith.extui %sign3A_629 : i1 to i32
        %sign3A_631 = arith.constant 0 : i32
        %sign3A_632 = arith.cmpi slt, %jit3A_619, %sign3A_631 : i32
        %sign3A_633 = arith.extui %sign3A_632 : i1 to i32
        %sign3A_634 = arith.subi %sign3A_630, %sign3A_633 : i32
        %ne3A_635 = arith.cmpi ne, %sign3A_627, %sign3A_634 : i32
        %rem3A_636 = arith.remsi %add3A_209, %jit3A_619 : i32
        %ne3A_637 = arith.constant 0 : i32
        %ne3A_638 = arith.cmpi ne, %rem3A_636, %ne3A_637 : i32
        %and3A_639 = arith.andi %ne3A_635, %ne3A_638 : i1
        %sub3A_640 = arith.constant 1 : i32
        %sub3A_641 = arith.subi %div3A_620, %sub3A_640 : i32
        %select_n3A_642 = arith.select %and3A_639, %sub3A_641, %div3A_620 : i32
        %jit3A_643 = arith.constant 32 : i32
        %eq3A_644 = arith.constant 0 : i32
        %eq3A_645 = arith.cmpi eq, %jit3A_643, %eq3A_644 : i32
        %jit3A_646 = arith.constant 1 : i32
        %select_n3A_647 = arith.select %eq3A_645, %jit3A_646, %jit3A_643 : i32
        %rem3A_648 = arith.remsi %add3A_209, %select_n3A_647 : i32
        %ne3A_649 = arith.constant 0 : i32
        %ne3A_650 = arith.cmpi ne, %rem3A_648, %ne3A_649 : i32
        %lt3A_651 = arith.constant 0 : i32
        %lt3A_652 = arith.cmpi slt, %rem3A_648, %lt3A_651 : i32
        %lt3A_653 = arith.constant 0 : i32
        %lt3A_654 = arith.cmpi slt, %select_n3A_647, %lt3A_653 : i32
        %ne3A_655 = arith.xori %lt3A_652, %lt3A_654 : i1
        %and3A_656 = arith.andi %ne3A_655, %ne3A_650 : i1
        %add3A_657 = arith.addi %rem3A_648, %select_n3A_647 : i32
        %select_n3A_658 = arith.select %and3A_656, %add3A_657, %rem3A_648 : i32
        %jit3A_659 = arith.constant 32 : i32
        %div3A_660 = arith.divsi %add3A_227, %jit3A_659 : i32
        %sign3A_661 = arith.constant 0 : i32
        %sign3A_662 = arith.cmpi sgt, %add3A_227, %sign3A_661 : i32
        %sign3A_663 = arith.extui %sign3A_662 : i1 to i32
        %sign3A_664 = arith.constant 0 : i32
        %sign3A_665 = arith.cmpi slt, %add3A_227, %sign3A_664 : i32
        %sign3A_666 = arith.extui %sign3A_665 : i1 to i32
        %sign3A_667 = arith.subi %sign3A_663, %sign3A_666 : i32
        %sign3A_668 = arith.constant 0 : i32
        %sign3A_669 = arith.cmpi sgt, %jit3A_659, %sign3A_668 : i32
        %sign3A_670 = arith.extui %sign3A_669 : i1 to i32
        %sign3A_671 = arith.constant 0 : i32
        %sign3A_672 = arith.cmpi slt, %jit3A_659, %sign3A_671 : i32
        %sign3A_673 = arith.extui %sign3A_672 : i1 to i32
        %sign3A_674 = arith.subi %sign3A_670, %sign3A_673 : i32
        %ne3A_675 = arith.cmpi ne, %sign3A_667, %sign3A_674 : i32
        %rem3A_676 = arith.remsi %add3A_227, %jit3A_659 : i32
        %ne3A_677 = arith.constant 0 : i32
        %ne3A_678 = arith.cmpi ne, %rem3A_676, %ne3A_677 : i32
        %and3A_679 = arith.andi %ne3A_675, %ne3A_678 : i1
        %sub3A_680 = arith.constant 1 : i32
        %sub3A_681 = arith.subi %div3A_660, %sub3A_680 : i32
        %select_n3A_682 = arith.select %and3A_679, %sub3A_681, %div3A_660 : i32
        %jit3A_683 = arith.constant 32 : i32
        %eq3A_684 = arith.constant 0 : i32
        %eq3A_685 = arith.cmpi eq, %jit3A_683, %eq3A_684 : i32
        %jit3A_686 = arith.constant 1 : i32
        %select_n3A_687 = arith.select %eq3A_685, %jit3A_686, %jit3A_683 : i32
        %rem3A_688 = arith.remsi %add3A_227, %select_n3A_687 : i32
        %ne3A_689 = arith.constant 0 : i32
        %ne3A_690 = arith.cmpi ne, %rem3A_688, %ne3A_689 : i32
        %lt3A_691 = arith.constant 0 : i32
        %lt3A_692 = arith.cmpi slt, %rem3A_688, %lt3A_691 : i32
        %lt3A_693 = arith.constant 0 : i32
        %lt3A_694 = arith.cmpi slt, %select_n3A_687, %lt3A_693 : i32
        %ne3A_695 = arith.xori %lt3A_692, %lt3A_694 : i1
        %and3A_696 = arith.andi %ne3A_695, %ne3A_690 : i1
        %add3A_697 = arith.addi %rem3A_688, %select_n3A_687 : i32
        %select_n3A_698 = arith.select %and3A_696, %add3A_697, %rem3A_688 : i32
        %ne3A_699 = arith.cmpi ne, %select_n3A_642, %select_n3A_682 : i32
        %ne3A_700 = arith.cmpi ne, %select_n3A_658, %select_n3A_698 : i32
        %or3A_701 = arith.constant false
        %or3A_702 = arith.ori %or3A_701, %ne3A_699 : i1
        %or3A_703 = arith.ori %or3A_702, %ne3A_700 : i1
        %or3A_704 = arith.ori %or3A_703, %eq3A_208 : i1
        %convert_element_type3A_705 = arith.extui %or3A_704 : i1 to i32
        %cond3A_706 = arith.constant 0 : i32
        %cond3A_707 = arith.cmpi ne, %convert_element_type3A_705, %cond3A_706 : i32
        scf.if %cond3A_707 {
        } else {
        }
        %and3A_708 = arith.constant false
        %and3A_709 = arith.andi %or3A_704, %and3A_708 : i1
        %jit3A_710 = arith.constant 32 : i32
        %div3A_711 = arith.divsi %add3A_209, %jit3A_710 : i32
        %sign3A_712 = arith.constant 0 : i32
        %sign3A_713 = arith.cmpi sgt, %add3A_209, %sign3A_712 : i32
        %sign3A_714 = arith.extui %sign3A_713 : i1 to i32
        %sign3A_715 = arith.constant 0 : i32
        %sign3A_716 = arith.cmpi slt, %add3A_209, %sign3A_715 : i32
        %sign3A_717 = arith.extui %sign3A_716 : i1 to i32
        %sign3A_718 = arith.subi %sign3A_714, %sign3A_717 : i32
        %sign3A_719 = arith.constant 0 : i32
        %sign3A_720 = arith.cmpi sgt, %jit3A_710, %sign3A_719 : i32
        %sign3A_721 = arith.extui %sign3A_720 : i1 to i32
        %sign3A_722 = arith.constant 0 : i32
        %sign3A_723 = arith.cmpi slt, %jit3A_710, %sign3A_722 : i32
        %sign3A_724 = arith.extui %sign3A_723 : i1 to i32
        %sign3A_725 = arith.subi %sign3A_721, %sign3A_724 : i32
        %ne3A_726 = arith.cmpi ne, %sign3A_718, %sign3A_725 : i32
        %rem3A_727 = arith.remsi %add3A_209, %jit3A_710 : i32
        %ne3A_728 = arith.constant 0 : i32
        %ne3A_729 = arith.cmpi ne, %rem3A_727, %ne3A_728 : i32
        %and3A_730 = arith.andi %ne3A_726, %ne3A_729 : i1
        %sub3A_731 = arith.constant 1 : i32
        %sub3A_732 = arith.subi %div3A_711, %sub3A_731 : i32
        %select_n3A_733 = arith.select %and3A_730, %sub3A_732, %div3A_711 : i32
        %jit3A_734 = arith.constant 32 : i32
        %eq3A_735 = arith.constant 0 : i32
        %eq3A_736 = arith.cmpi eq, %jit3A_734, %eq3A_735 : i32
        %jit3A_737 = arith.constant 1 : i32
        %select_n3A_738 = arith.select %eq3A_736, %jit3A_737, %jit3A_734 : i32
        %rem3A_739 = arith.remsi %add3A_209, %select_n3A_738 : i32
        %ne3A_740 = arith.constant 0 : i32
        %ne3A_741 = arith.cmpi ne, %rem3A_739, %ne3A_740 : i32
        %lt3A_742 = arith.constant 0 : i32
        %lt3A_743 = arith.cmpi slt, %rem3A_739, %lt3A_742 : i32
        %lt3A_744 = arith.constant 0 : i32
        %lt3A_745 = arith.cmpi slt, %select_n3A_738, %lt3A_744 : i32
        %ne3A_746 = arith.xori %lt3A_743, %lt3A_745 : i1
        %and3A_747 = arith.andi %ne3A_746, %ne3A_741 : i1
        %add3A_748 = arith.addi %rem3A_739, %select_n3A_738 : i32
        %select_n3A_749 = arith.select %and3A_747, %add3A_748, %rem3A_739 : i32
        %jit3A_750 = arith.constant 32 : i32
        %div3A_751 = arith.divsi %add3A_227, %jit3A_750 : i32
        %sign3A_752 = arith.constant 0 : i32
        %sign3A_753 = arith.cmpi sgt, %add3A_227, %sign3A_752 : i32
        %sign3A_754 = arith.extui %sign3A_753 : i1 to i32
        %sign3A_755 = arith.constant 0 : i32
        %sign3A_756 = arith.cmpi slt, %add3A_227, %sign3A_755 : i32
        %sign3A_757 = arith.extui %sign3A_756 : i1 to i32
        %sign3A_758 = arith.subi %sign3A_754, %sign3A_757 : i32
        %sign3A_759 = arith.constant 0 : i32
        %sign3A_760 = arith.cmpi sgt, %jit3A_750, %sign3A_759 : i32
        %sign3A_761 = arith.extui %sign3A_760 : i1 to i32
        %sign3A_762 = arith.constant 0 : i32
        %sign3A_763 = arith.cmpi slt, %jit3A_750, %sign3A_762 : i32
        %sign3A_764 = arith.extui %sign3A_763 : i1 to i32
        %sign3A_765 = arith.subi %sign3A_761, %sign3A_764 : i32
        %ne3A_766 = arith.cmpi ne, %sign3A_758, %sign3A_765 : i32
        %rem3A_767 = arith.remsi %add3A_227, %jit3A_750 : i32
        %ne3A_768 = arith.constant 0 : i32
        %ne3A_769 = arith.cmpi ne, %rem3A_767, %ne3A_768 : i32
        %and3A_770 = arith.andi %ne3A_766, %ne3A_769 : i1
        %sub3A_771 = arith.constant 1 : i32
        %sub3A_772 = arith.subi %div3A_751, %sub3A_771 : i32
        %select_n3A_773 = arith.select %and3A_770, %sub3A_772, %div3A_751 : i32
        %jit3A_774 = arith.constant 32 : i32
        %eq3A_775 = arith.constant 0 : i32
        %eq3A_776 = arith.cmpi eq, %jit3A_774, %eq3A_775 : i32
        %jit3A_777 = arith.constant 1 : i32
        %select_n3A_778 = arith.select %eq3A_776, %jit3A_777, %jit3A_774 : i32
        %rem3A_779 = arith.remsi %add3A_227, %select_n3A_778 : i32
        %ne3A_780 = arith.constant 0 : i32
        %ne3A_781 = arith.cmpi ne, %rem3A_779, %ne3A_780 : i32
        %lt3A_782 = arith.constant 0 : i32
        %lt3A_783 = arith.cmpi slt, %rem3A_779, %lt3A_782 : i32
        %lt3A_784 = arith.constant 0 : i32
        %lt3A_785 = arith.cmpi slt, %select_n3A_778, %lt3A_784 : i32
        %ne3A_786 = arith.xori %lt3A_783, %lt3A_785 : i1
        %and3A_787 = arith.andi %ne3A_786, %ne3A_781 : i1
        %add3A_788 = arith.addi %rem3A_779, %select_n3A_778 : i32
        %select_n3A_789 = arith.select %and3A_787, %add3A_788, %rem3A_779 : i32
        %ne3A_790 = arith.cmpi ne, %select_n3A_733, %select_n3A_773 : i32
        %ne3A_791 = arith.cmpi ne, %select_n3A_749, %select_n3A_789 : i32
        %or3A_792 = arith.constant false
        %or3A_793 = arith.ori %or3A_792, %ne3A_790 : i1
        %or3A_794 = arith.constant false
        %or3A_795 = arith.ori %or3A_793, %or3A_794 : i1
        %or3A_796 = arith.ori %or3A_795, %ne3A_791 : i1
        %or3A_797 = arith.ori %or3A_796, %eq3A_208 : i1
        %convert_element_type3A_798 = arith.extui %or3A_797 : i1 to i32
        %cond3A_799 = arith.constant 0 : i32
        %cond3A_800 = arith.cmpi ne, %convert_element_type3A_798, %cond3A_799 : i32
        scf.if %cond3A_800 {
          "tpu.trace_start"() <{level = 10 : i32, message = "ep_copy_out"}> : () -> ()
          %rem3A_1094 = arith.constant 2 : i32
          %rem3A_1095 = arith.remui %scan3A_202, %rem3A_1094 : i32
          %jit3A_1096 = arith.constant 32 : i32
          %div3A_1097 = arith.divsi %add3A_209, %jit3A_1096 : i32
          %sign3A_1098 = arith.constant 0 : i32
          %sign3A_1099 = arith.cmpi sgt, %add3A_209, %sign3A_1098 : i32
          %sign3A_1100 = arith.extui %sign3A_1099 : i1 to i32
          %sign3A_1101 = arith.constant 0 : i32
          %sign3A_1102 = arith.cmpi slt, %add3A_209, %sign3A_1101 : i32
          %sign3A_1103 = arith.extui %sign3A_1102 : i1 to i32
          %sign3A_1104 = arith.subi %sign3A_1100, %sign3A_1103 : i32
          %sign3A_1105 = arith.constant 0 : i32
          %sign3A_1106 = arith.cmpi sgt, %jit3A_1096, %sign3A_1105 : i32
          %sign3A_1107 = arith.extui %sign3A_1106 : i1 to i32
          %sign3A_1108 = arith.constant 0 : i32
          %sign3A_1109 = arith.cmpi slt, %jit3A_1096, %sign3A_1108 : i32
          %sign3A_1110 = arith.extui %sign3A_1109 : i1 to i32
          %sign3A_1111 = arith.subi %sign3A_1107, %sign3A_1110 : i32
          %ne3A_1112 = arith.cmpi ne, %sign3A_1104, %sign3A_1111 : i32
          %rem3A_1113 = arith.remsi %add3A_209, %jit3A_1096 : i32
          %ne3A_1114 = arith.constant 0 : i32
          %ne3A_1115 = arith.cmpi ne, %rem3A_1113, %ne3A_1114 : i32
          %and3A_1116 = arith.andi %ne3A_1112, %ne3A_1115 : i1
          %sub3A_1117 = arith.constant 1 : i32
          %sub3A_1118 = arith.subi %div3A_1097, %sub3A_1117 : i32
          %select_n3A_1119 = arith.select %and3A_1116, %sub3A_1118, %div3A_1097 : i32
          %jit3A_1120 = arith.constant 32 : i32
          %eq3A_1121 = arith.constant 0 : i32
          %eq3A_1122 = arith.cmpi eq, %jit3A_1120, %eq3A_1121 : i32
          %jit3A_1123 = arith.constant 1 : i32
          %select_n3A_1124 = arith.select %eq3A_1122, %jit3A_1123, %jit3A_1120 : i32
          %rem3A_1125 = arith.remsi %add3A_209, %select_n3A_1124 : i32
          %ne3A_1126 = arith.constant 0 : i32
          %ne3A_1127 = arith.cmpi ne, %rem3A_1125, %ne3A_1126 : i32
          %lt3A_1128 = arith.constant 0 : i32
          %lt3A_1129 = arith.cmpi slt, %rem3A_1125, %lt3A_1128 : i32
          %lt3A_1130 = arith.constant 0 : i32
          %lt3A_1131 = arith.cmpi slt, %select_n3A_1124, %lt3A_1130 : i32
          %ne3A_1132 = arith.xori %lt3A_1129, %lt3A_1131 : i1
          %and3A_1133 = arith.andi %ne3A_1132, %ne3A_1127 : i1
          %add3A_1134 = arith.addi %rem3A_1125, %select_n3A_1124 : i32
          %select_n3A_1135 = arith.select %and3A_1133, %add3A_1134, %rem3A_1125 : i32
          %mul3A_1136 = arith.constant 1 : i32
          %mul3A_1137 = arith.muli %mul3A_1136, %select_n3A_1119 : i32
          %mul3A_1138 = arith.constant 512 : i32
          %mul3A_1139 = arith.muli %mul3A_1138, %select_n3A_1135 : i32
          %dma_start3A_1140 = arith.constant 0 : i32
          %dma_start3A_1141 = arith.constant 0 : i32
          %dma_start3A_1142 = arith.constant 0 : i32
          %dma_start3A_1143 = tpu.memref_slice %run_scoped3A_8[%rem3A_1095, %dma_start3A_1140, %dma_start3A_1141, %dma_start3A_1142] : memref<2x1x16x512xf32, #tpu.memory_space<vmem>> -> memref<1x1x16x512xf32, #tpu.memory_space<vmem>>
          %dma_start3A_1144 = tpu.memref_squeeze %dma_start3A_1143 : memref<1x1x16x512xf32, #tpu.memory_space<vmem>> -> memref<1x16x512xf32, #tpu.memory_space<vmem>>
          %dma_start3A_1145 = arith.constant 0 : i32
          %dma_start3A_1146 = tpu.memref_slice %arg4[%mul3A_1137, %dma_start3A_1145, %mul3A_1139] : memref<50x16x16384xf32, #tpu.memory_space<hbm>> -> memref<1x16x512xf32, #tpu.memory_space<hbm>>
          %dma_start3A_1147 = tpu.memref_slice %run_scoped3A_9[%rem3A_1095] : memref<2x!tpu.dma_semaphore, #tpu.memory_space<semaphore_mem>> -> memref<1x!tpu.dma_semaphore, #tpu.memory_space<semaphore_mem>>
          %dma_start3A_1148 = tpu.memref_squeeze %dma_start3A_1147 : memref<1x!tpu.dma_semaphore, #tpu.memory_space<semaphore_mem>> -> memref<!tpu.dma_semaphore, #tpu.memory_space<semaphore_mem>>
          %dma_start3A_1149 = arith.constant 0 : i32
          %dma_start3A_1150 = tpu.memref_slice %arg4[%mul3A_1137, %dma_start3A_1149, %mul3A_1139] : memref<50x16x16384xf32, #tpu.memory_space<hbm>> -> memref<1x16x512xf32, #tpu.memory_space<hbm>>
          %dma_start3A_1151 = arith.constant 0 : i32
          %dma_start3A_1152 = arith.constant 0 : i32
          %dma_start3A_1153 = arith.constant 0 : i32
          %dma_start3A_1154 = tpu.memref_slice %run_scoped3A_8[%rem3A_1095, %dma_start3A_1151, %dma_start3A_1152, %dma_start3A_1153] : memref<2x1x16x512xf32, #tpu.memory_space<vmem>> -> memref<1x1x16x512xf32, #tpu.memory_space<vmem>>
          %dma_start3A_1155 = tpu.memref_squeeze %dma_start3A_1154 : memref<1x1x16x512xf32, #tpu.memory_space<vmem>> -> memref<1x16x512xf32, #tpu.memory_space<vmem>>
          tpu.enqueue_dma source(%dma_start3A_1155 : memref<1x16x512xf32, #tpu.memory_space<vmem>>) target(%dma_start3A_1150 : memref<1x16x512xf32, #tpu.memory_space<hbm>>) target_semaphore(%dma_start3A_1148 : memref<!tpu.dma_semaphore, #tpu.memory_space<semaphore_mem>>)
          "tpu.trace_stop"() : () -> ()
        } else {
        }
        %and3A_801 = arith.constant true
        %and3A_802 = arith.andi %or3A_797, %and3A_801 : i1
        %add3A_803 = arith.constant 1 : i32
        %add3A_804 = arith.addi %scan3A_202, %add3A_803 : i32
        %select_n3A_805 = arith.select %and3A_802, %add3A_804, %scan3A_202 : i32
        %jit3A_806 = arith.constant 32 : i32
        %div3A_807 = arith.divsi %add3A_209, %jit3A_806 : i32
        %sign3A_808 = arith.constant 0 : i32
        %sign3A_809 = arith.cmpi sgt, %add3A_209, %sign3A_808 : i32
        %sign3A_810 = arith.extui %sign3A_809 : i1 to i32
        %sign3A_811 = arith.constant 0 : i32
        %sign3A_812 = arith.cmpi slt, %add3A_209, %sign3A_811 : i32
        %sign3A_813 = arith.extui %sign3A_812 : i1 to i32
        %sign3A_814 = arith.subi %sign3A_810, %sign3A_813 : i32
        %sign3A_815 = arith.constant 0 : i32
        %sign3A_816 = arith.cmpi sgt, %jit3A_806, %sign3A_815 : i32
        %sign3A_817 = arith.extui %sign3A_816 : i1 to i32
        %sign3A_818 = arith.constant 0 : i32
        %sign3A_819 = arith.cmpi slt, %jit3A_806, %sign3A_818 : i32
        %sign3A_820 = arith.extui %sign3A_819 : i1 to i32
        %sign3A_821 = arith.subi %sign3A_817, %sign3A_820 : i32
        %ne3A_822 = arith.cmpi ne, %sign3A_814, %sign3A_821 : i32
        %rem3A_823 = arith.remsi %add3A_209, %jit3A_806 : i32
        %ne3A_824 = arith.constant 0 : i32
        %ne3A_825 = arith.cmpi ne, %rem3A_823, %ne3A_824 : i32
        %and3A_826 = arith.andi %ne3A_822, %ne3A_825 : i1
        %sub3A_827 = arith.constant 1 : i32
        %sub3A_828 = arith.subi %div3A_807, %sub3A_827 : i32
        %select_n3A_829 = arith.select %and3A_826, %sub3A_828, %div3A_807 : i32
        %jit3A_830 = arith.constant 32 : i32
        %eq3A_831 = arith.constant 0 : i32
        %eq3A_832 = arith.cmpi eq, %jit3A_830, %eq3A_831 : i32
        %jit3A_833 = arith.constant 1 : i32
        %select_n3A_834 = arith.select %eq3A_832, %jit3A_833, %jit3A_830 : i32
        %rem3A_835 = arith.remsi %add3A_209, %select_n3A_834 : i32
        %ne3A_836 = arith.constant 0 : i32
        %ne3A_837 = arith.cmpi ne, %rem3A_835, %ne3A_836 : i32
        %lt3A_838 = arith.constant 0 : i32
        %lt3A_839 = arith.cmpi slt, %rem3A_835, %lt3A_838 : i32
        %lt3A_840 = arith.constant 0 : i32
        %lt3A_841 = arith.cmpi slt, %select_n3A_834, %lt3A_840 : i32
        %ne3A_842 = arith.xori %lt3A_839, %lt3A_841 : i1
        %and3A_843 = arith.andi %ne3A_842, %ne3A_837 : i1
        %add3A_844 = arith.addi %rem3A_835, %select_n3A_834 : i32
        %select_n3A_845 = arith.select %and3A_843, %add3A_844, %rem3A_835 : i32
        %jit3A_846 = arith.constant 32 : i32
        %div3A_847 = arith.divsi %add3A_218, %jit3A_846 : i32
        %sign3A_848 = arith.constant 0 : i32
        %sign3A_849 = arith.cmpi sgt, %add3A_218, %sign3A_848 : i32
        %sign3A_850 = arith.extui %sign3A_849 : i1 to i32
        %sign3A_851 = arith.constant 0 : i32
        %sign3A_852 = arith.cmpi slt, %add3A_218, %sign3A_851 : i32
        %sign3A_853 = arith.extui %sign3A_852 : i1 to i32
        %sign3A_854 = arith.subi %sign3A_850, %sign3A_853 : i32
        %sign3A_855 = arith.constant 0 : i32
        %sign3A_856 = arith.cmpi sgt, %jit3A_846, %sign3A_855 : i32
        %sign3A_857 = arith.extui %sign3A_856 : i1 to i32
        %sign3A_858 = arith.constant 0 : i32
        %sign3A_859 = arith.cmpi slt, %jit3A_846, %sign3A_858 : i32
        %sign3A_860 = arith.extui %sign3A_859 : i1 to i32
        %sign3A_861 = arith.subi %sign3A_857, %sign3A_860 : i32
        %ne3A_862 = arith.cmpi ne, %sign3A_854, %sign3A_861 : i32
        %rem3A_863 = arith.remsi %add3A_218, %jit3A_846 : i32
        %ne3A_864 = arith.constant 0 : i32
        %ne3A_865 = arith.cmpi ne, %rem3A_863, %ne3A_864 : i32
        %and3A_866 = arith.andi %ne3A_862, %ne3A_865 : i1
        %sub3A_867 = arith.constant 1 : i32
        %sub3A_868 = arith.subi %div3A_847, %sub3A_867 : i32
        %select_n3A_869 = arith.select %and3A_866, %sub3A_868, %div3A_847 : i32
        %jit3A_870 = arith.constant 32 : i32
        %eq3A_871 = arith.constant 0 : i32
        %eq3A_872 = arith.cmpi eq, %jit3A_870, %eq3A_871 : i32
        %jit3A_873 = arith.constant 1 : i32
        %select_n3A_874 = arith.select %eq3A_872, %jit3A_873, %jit3A_870 : i32
        %rem3A_875 = arith.remsi %add3A_218, %select_n3A_874 : i32
        %ne3A_876 = arith.constant 0 : i32
        %ne3A_877 = arith.cmpi ne, %rem3A_875, %ne3A_876 : i32
        %lt3A_878 = arith.constant 0 : i32
        %lt3A_879 = arith.cmpi slt, %rem3A_875, %lt3A_878 : i32
        %lt3A_880 = arith.constant 0 : i32
        %lt3A_881 = arith.cmpi slt, %select_n3A_874, %lt3A_880 : i32
        %ne3A_882 = arith.xori %lt3A_879, %lt3A_881 : i1
        %and3A_883 = arith.andi %ne3A_882, %ne3A_877 : i1
        %add3A_884 = arith.addi %rem3A_875, %select_n3A_874 : i32
        %select_n3A_885 = arith.select %and3A_883, %add3A_884, %rem3A_875 : i32
        %ne3A_886 = arith.cmpi ne, %select_n3A_829, %select_n3A_869 : i32
        %ne3A_887 = arith.cmpi ne, %select_n3A_845, %select_n3A_885 : i32
        %or3A_888 = arith.constant false
        %or3A_889 = arith.ori %or3A_888, %ne3A_886 : i1
        %or3A_890 = arith.ori %or3A_889, %ne3A_887 : i1
        %not3A_891 = arith.constant true
        %not3A_892 = arith.xori %eq3A_206, %not3A_891 : i1
        %and3A_893 = arith.andi %or3A_890, %not3A_892 : i1
        %convert_element_type3A_894 = arith.extui %and3A_893 : i1 to i32
        %cond3A_895 = arith.constant 0 : i32
        %cond3A_896 = arith.cmpi ne, %convert_element_type3A_894, %cond3A_895 : i32
        scf.if %cond3A_896 {
        } else {
        }
        %and3A_897 = arith.constant false
        %and3A_898 = arith.andi %and3A_893, %and3A_897 : i1
        %jit3A_899 = arith.constant 32 : i32
        %div3A_900 = arith.divsi %add3A_209, %jit3A_899 : i32
        %sign3A_901 = arith.constant 0 : i32
        %sign3A_902 = arith.cmpi sgt, %add3A_209, %sign3A_901 : i32
        %sign3A_903 = arith.extui %sign3A_902 : i1 to i32
        %sign3A_904 = arith.constant 0 : i32
        %sign3A_905 = arith.cmpi slt, %add3A_209, %sign3A_904 : i32
        %sign3A_906 = arith.extui %sign3A_905 : i1 to i32
        %sign3A_907 = arith.subi %sign3A_903, %sign3A_906 : i32
        %sign3A_908 = arith.constant 0 : i32
        %sign3A_909 = arith.cmpi sgt, %jit3A_899, %sign3A_908 : i32
        %sign3A_910 = arith.extui %sign3A_909 : i1 to i32
        %sign3A_911 = arith.constant 0 : i32
        %sign3A_912 = arith.cmpi slt, %jit3A_899, %sign3A_911 : i32
        %sign3A_913 = arith.extui %sign3A_912 : i1 to i32
        %sign3A_914 = arith.subi %sign3A_910, %sign3A_913 : i32
        %ne3A_915 = arith.cmpi ne, %sign3A_907, %sign3A_914 : i32
        %rem3A_916 = arith.remsi %add3A_209, %jit3A_899 : i32
        %ne3A_917 = arith.constant 0 : i32
        %ne3A_918 = arith.cmpi ne, %rem3A_916, %ne3A_917 : i32
        %and3A_919 = arith.andi %ne3A_915, %ne3A_918 : i1
        %sub3A_920 = arith.constant 1 : i32
        %sub3A_921 = arith.subi %div3A_900, %sub3A_920 : i32
        %select_n3A_922 = arith.select %and3A_919, %sub3A_921, %div3A_900 : i32
        %jit3A_923 = arith.constant 32 : i32
        %eq3A_924 = arith.constant 0 : i32
        %eq3A_925 = arith.cmpi eq, %jit3A_923, %eq3A_924 : i32
        %jit3A_926 = arith.constant 1 : i32
        %select_n3A_927 = arith.select %eq3A_925, %jit3A_926, %jit3A_923 : i32
        %rem3A_928 = arith.remsi %add3A_209, %select_n3A_927 : i32
        %ne3A_929 = arith.constant 0 : i32
        %ne3A_930 = arith.cmpi ne, %rem3A_928, %ne3A_929 : i32
        %lt3A_931 = arith.constant 0 : i32
        %lt3A_932 = arith.cmpi slt, %rem3A_928, %lt3A_931 : i32
        %lt3A_933 = arith.constant 0 : i32
        %lt3A_934 = arith.cmpi slt, %select_n3A_927, %lt3A_933 : i32
        %ne3A_935 = arith.xori %lt3A_932, %lt3A_934 : i1
        %and3A_936 = arith.andi %ne3A_935, %ne3A_930 : i1
        %add3A_937 = arith.addi %rem3A_928, %select_n3A_927 : i32
        %select_n3A_938 = arith.select %and3A_936, %add3A_937, %rem3A_928 : i32
        %jit3A_939 = arith.constant 32 : i32
        %div3A_940 = arith.divsi %add3A_218, %jit3A_939 : i32
        %sign3A_941 = arith.constant 0 : i32
        %sign3A_942 = arith.cmpi sgt, %add3A_218, %sign3A_941 : i32
        %sign3A_943 = arith.extui %sign3A_942 : i1 to i32
        %sign3A_944 = arith.constant 0 : i32
        %sign3A_945 = arith.cmpi slt, %add3A_218, %sign3A_944 : i32
        %sign3A_946 = arith.extui %sign3A_945 : i1 to i32
        %sign3A_947 = arith.subi %sign3A_943, %sign3A_946 : i32
        %sign3A_948 = arith.constant 0 : i32
        %sign3A_949 = arith.cmpi sgt, %jit3A_939, %sign3A_948 : i32
        %sign3A_950 = arith.extui %sign3A_949 : i1 to i32
        %sign3A_951 = arith.constant 0 : i32
        %sign3A_952 = arith.cmpi slt, %jit3A_939, %sign3A_951 : i32
        %sign3A_953 = arith.extui %sign3A_952 : i1 to i32
        %sign3A_954 = arith.subi %sign3A_950, %sign3A_953 : i32
        %ne3A_955 = arith.cmpi ne, %sign3A_947, %sign3A_954 : i32
        %rem3A_956 = arith.remsi %add3A_218, %jit3A_939 : i32
        %ne3A_957 = arith.constant 0 : i32
        %ne3A_958 = arith.cmpi ne, %rem3A_956, %ne3A_957 : i32
        %and3A_959 = arith.andi %ne3A_955, %ne3A_958 : i1
        %sub3A_960 = arith.constant 1 : i32
        %sub3A_961 = arith.subi %div3A_940, %sub3A_960 : i32
        %select_n3A_962 = arith.select %and3A_959, %sub3A_961, %div3A_940 : i32
        %jit3A_963 = arith.constant 32 : i32
        %eq3A_964 = arith.constant 0 : i32
        %eq3A_965 = arith.cmpi eq, %jit3A_963, %eq3A_964 : i32
        %jit3A_966 = arith.constant 1 : i32
        %select_n3A_967 = arith.select %eq3A_965, %jit3A_966, %jit3A_963 : i32
        %rem3A_968 = arith.remsi %add3A_218, %select_n3A_967 : i32
        %ne3A_969 = arith.constant 0 : i32
        %ne3A_970 = arith.cmpi ne, %rem3A_968, %ne3A_969 : i32
        %lt3A_971 = arith.constant 0 : i32
        %lt3A_972 = arith.cmpi slt, %rem3A_968, %lt3A_971 : i32
        %lt3A_973 = arith.constant 0 : i32
        %lt3A_974 = arith.cmpi slt, %select_n3A_967, %lt3A_973 : i32
        %ne3A_975 = arith.xori %lt3A_972, %lt3A_974 : i1
        %and3A_976 = arith.andi %ne3A_975, %ne3A_970 : i1
        %add3A_977 = arith.addi %rem3A_968, %select_n3A_967 : i32
        %select_n3A_978 = arith.select %and3A_976, %add3A_977, %rem3A_968 : i32
        %ne3A_979 = arith.cmpi ne, %select_n3A_922, %select_n3A_962 : i32
        %ne3A_980 = arith.cmpi ne, %select_n3A_938, %select_n3A_978 : i32
        %or3A_981 = arith.constant false
        %or3A_982 = arith.ori %or3A_981, %ne3A_979 : i1
        %or3A_983 = arith.constant false
        %or3A_984 = arith.ori %or3A_982, %or3A_983 : i1
        %or3A_985 = arith.ori %or3A_984, %ne3A_980 : i1
        %not3A_986 = arith.constant true
        %not3A_987 = arith.xori %eq3A_206, %not3A_986 : i1
        %and3A_988 = arith.andi %or3A_985, %not3A_987 : i1
        %convert_element_type3A_989 = arith.extui %and3A_988 : i1 to i32
        %cond3A_990 = arith.constant 0 : i32
        %cond3A_991 = arith.cmpi ne, %convert_element_type3A_989, %cond3A_990 : i32
        scf.if %cond3A_991 {
          "tpu.trace_start"() <{level = 10 : i32, message = "ep_wait_out"}> : () -> ()
          %rem3A_1094 = arith.constant 2 : i32
          %rem3A_1095 = arith.remui %scan3A_203, %rem3A_1094 : i32
          %jit3A_1096 = arith.constant 32 : i32
          %div3A_1097 = arith.divsi %add3A_218, %jit3A_1096 : i32
          %sign3A_1098 = arith.constant 0 : i32
          %sign3A_1099 = arith.cmpi sgt, %add3A_218, %sign3A_1098 : i32
          %sign3A_1100 = arith.extui %sign3A_1099 : i1 to i32
          %sign3A_1101 = arith.constant 0 : i32
          %sign3A_1102 = arith.cmpi slt, %add3A_218, %sign3A_1101 : i32
          %sign3A_1103 = arith.extui %sign3A_1102 : i1 to i32
          %sign3A_1104 = arith.subi %sign3A_1100, %sign3A_1103 : i32
          %sign3A_1105 = arith.constant 0 : i32
          %sign3A_1106 = arith.cmpi sgt, %jit3A_1096, %sign3A_1105 : i32
          %sign3A_1107 = arith.extui %sign3A_1106 : i1 to i32
          %sign3A_1108 = arith.constant 0 : i32
          %sign3A_1109 = arith.cmpi slt, %jit3A_1096, %sign3A_1108 : i32
          %sign3A_1110 = arith.extui %sign3A_1109 : i1 to i32
          %sign3A_1111 = arith.subi %sign3A_1107, %sign3A_1110 : i32
          %ne3A_1112 = arith.cmpi ne, %sign3A_1104, %sign3A_1111 : i32
          %rem3A_1113 = arith.remsi %add3A_218, %jit3A_1096 : i32
          %ne3A_1114 = arith.constant 0 : i32
          %ne3A_1115 = arith.cmpi ne, %rem3A_1113, %ne3A_1114 : i32
          %and3A_1116 = arith.andi %ne3A_1112, %ne3A_1115 : i1
          %sub3A_1117 = arith.constant 1 : i32
          %sub3A_1118 = arith.subi %div3A_1097, %sub3A_1117 : i32
          %select_n3A_1119 = arith.select %and3A_1116, %sub3A_1118, %div3A_1097 : i32
          %jit3A_1120 = arith.constant 32 : i32
          %eq3A_1121 = arith.constant 0 : i32
          %eq3A_1122 = arith.cmpi eq, %jit3A_1120, %eq3A_1121 : i32
          %jit3A_1123 = arith.constant 1 : i32
          %select_n3A_1124 = arith.select %eq3A_1122, %jit3A_1123, %jit3A_1120 : i32
          %rem3A_1125 = arith.remsi %add3A_218, %select_n3A_1124 : i32
          %ne3A_1126 = arith.constant 0 : i32
          %ne3A_1127 = arith.cmpi ne, %rem3A_1125, %ne3A_1126 : i32
          %lt3A_1128 = arith.constant 0 : i32
          %lt3A_1129 = arith.cmpi slt, %rem3A_1125, %lt3A_1128 : i32
          %lt3A_1130 = arith.constant 0 : i32
          %lt3A_1131 = arith.cmpi slt, %select_n3A_1124, %lt3A_1130 : i32
          %ne3A_1132 = arith.xori %lt3A_1129, %lt3A_1131 : i1
          %and3A_1133 = arith.andi %ne3A_1132, %ne3A_1127 : i1
          %add3A_1134 = arith.addi %rem3A_1125, %select_n3A_1124 : i32
          %select_n3A_1135 = arith.select %and3A_1133, %add3A_1134, %rem3A_1125 : i32
          %mul3A_1136 = arith.constant 1 : i32
          %mul3A_1137 = arith.muli %mul3A_1136, %select_n3A_1119 : i32
          %mul3A_1138 = arith.constant 512 : i32
          %mul3A_1139 = arith.muli %mul3A_1138, %select_n3A_1135 : i32
          %dma_wait3A_1140 = arith.constant 0 : i32
          %dma_wait3A_1141 = arith.constant 0 : i32
          %dma_wait3A_1142 = arith.constant 0 : i32
          %dma_wait3A_1143 = tpu.memref_slice %run_scoped3A_8[%rem3A_1095, %dma_wait3A_1140, %dma_wait3A_1141, %dma_wait3A_1142] : memref<2x1x16x512xf32, #tpu.memory_space<vmem>> -> memref<1x1x16x512xf32, #tpu.memory_space<vmem>>
          %dma_wait3A_1144 = tpu.memref_squeeze %dma_wait3A_1143 : memref<1x1x16x512xf32, #tpu.memory_space<vmem>> -> memref<1x16x512xf32, #tpu.memory_space<vmem>>
          %dma_wait3A_1145 = arith.constant 0 : i32
          %dma_wait3A_1146 = tpu.memref_slice %arg4[%mul3A_1137, %dma_wait3A_1145, %mul3A_1139] : memref<50x16x16384xf32, #tpu.memory_space<hbm>> -> memref<1x16x512xf32, #tpu.memory_space<hbm>>
          %dma_wait3A_1147 = tpu.memref_slice %run_scoped3A_9[%rem3A_1095] : memref<2x!tpu.dma_semaphore, #tpu.memory_space<semaphore_mem>> -> memref<1x!tpu.dma_semaphore, #tpu.memory_space<semaphore_mem>>
          %dma_wait3A_1148 = tpu.memref_squeeze %dma_wait3A_1147 : memref<1x!tpu.dma_semaphore, #tpu.memory_space<semaphore_mem>> -> memref<!tpu.dma_semaphore, #tpu.memory_space<semaphore_mem>>
          %dma_wait3A_1149 = arith.constant 0 : i32
          %dma_wait3A_1150 = tpu.memref_slice %arg4[%mul3A_1137, %dma_wait3A_1149, %mul3A_1139] : memref<50x16x16384xf32, #tpu.memory_space<hbm>> -> memref<1x16x512xf32, #tpu.memory_space<hbm>>
          %dma_wait3A_1151 = arith.constant 0 : i32
          %dma_wait3A_1152 = arith.constant 0 : i32
          %dma_wait3A_1153 = arith.constant 0 : i32
          %dma_wait3A_1154 = tpu.memref_slice %run_scoped3A_8[%rem3A_1095, %dma_wait3A_1151, %dma_wait3A_1152, %dma_wait3A_1153] : memref<2x1x16x512xf32, #tpu.memory_space<vmem>> -> memref<1x1x16x512xf32, #tpu.memory_space<vmem>>
          %dma_wait3A_1155 = tpu.memref_squeeze %dma_wait3A_1154 : memref<1x1x16x512xf32, #tpu.memory_space<vmem>> -> memref<1x16x512xf32, #tpu.memory_space<vmem>>
          tpu.wait_dma2 semaphore(%dma_wait3A_1148 : memref<!tpu.dma_semaphore, #tpu.memory_space<semaphore_mem>>) src(%dma_wait3A_1155 : memref<1x16x512xf32, #tpu.memory_space<vmem>>) dst(%dma_wait3A_1150 : memref<1x16x512xf32, #tpu.memory_space<hbm>>)
          "tpu.trace_stop"() : () -> ()
        } else {
        }
        %and3A_992 = arith.constant true
        %and3A_993 = arith.andi %and3A_988, %and3A_992 : i1
        %add3A_994 = arith.constant 1 : i32
        %add3A_995 = arith.addi %scan3A_203, %add3A_994 : i32
        %select_n3A_996 = arith.select %and3A_993, %add3A_995, %scan3A_203 : i32
        %jit3A_997 = arith.constant 32 : i32
        %div3A_998 = arith.divsi %add3A_209, %jit3A_997 : i32
        %sign3A_999 = arith.constant 0 : i32
        %sign3A_1000 = arith.cmpi sgt, %add3A_209, %sign3A_999 : i32
        %sign3A_1001 = arith.extui %sign3A_1000 : i1 to i32
        %sign3A_1002 = arith.constant 0 : i32
        %sign3A_1003 = arith.cmpi slt, %add3A_209, %sign3A_1002 : i32
        %sign3A_1004 = arith.extui %sign3A_1003 : i1 to i32
        %sign3A_1005 = arith.subi %sign3A_1001, %sign3A_1004 : i32
        %sign3A_1006 = arith.constant 0 : i32
        %sign3A_1007 = arith.cmpi sgt, %jit3A_997, %sign3A_1006 : i32
        %sign3A_1008 = arith.extui %sign3A_1007 : i1 to i32
        %sign3A_1009 = arith.constant 0 : i32
        %sign3A_1010 = arith.cmpi slt, %jit3A_997, %sign3A_1009 : i32
        %sign3A_1011 = arith.extui %sign3A_1010 : i1 to i32
        %sign3A_1012 = arith.subi %sign3A_1008, %sign3A_1011 : i32
        %ne3A_1013 = arith.cmpi ne, %sign3A_1005, %sign3A_1012 : i32
        %rem3A_1014 = arith.remsi %add3A_209, %jit3A_997 : i32
        %ne3A_1015 = arith.constant 0 : i32
        %ne3A_1016 = arith.cmpi ne, %rem3A_1014, %ne3A_1015 : i32
        %and3A_1017 = arith.andi %ne3A_1013, %ne3A_1016 : i1
        %sub3A_1018 = arith.constant 1 : i32
        %sub3A_1019 = arith.subi %div3A_998, %sub3A_1018 : i32
        %select_n3A_1020 = arith.select %and3A_1017, %sub3A_1019, %div3A_998 : i32
        %jit3A_1021 = arith.constant 32 : i32
        %eq3A_1022 = arith.constant 0 : i32
        %eq3A_1023 = arith.cmpi eq, %jit3A_1021, %eq3A_1022 : i32
        %jit3A_1024 = arith.constant 1 : i32
        %select_n3A_1025 = arith.select %eq3A_1023, %jit3A_1024, %jit3A_1021 : i32
        %rem3A_1026 = arith.remsi %add3A_209, %select_n3A_1025 : i32
        %ne3A_1027 = arith.constant 0 : i32
        %ne3A_1028 = arith.cmpi ne, %rem3A_1026, %ne3A_1027 : i32
        %lt3A_1029 = arith.constant 0 : i32
        %lt3A_1030 = arith.cmpi slt, %rem3A_1026, %lt3A_1029 : i32
        %lt3A_1031 = arith.constant 0 : i32
        %lt3A_1032 = arith.cmpi slt, %select_n3A_1025, %lt3A_1031 : i32
        %ne3A_1033 = arith.xori %lt3A_1030, %lt3A_1032 : i1
        %and3A_1034 = arith.andi %ne3A_1033, %ne3A_1028 : i1
        %add3A_1035 = arith.addi %rem3A_1026, %select_n3A_1025 : i32
        %select_n3A_1036 = arith.select %and3A_1034, %add3A_1035, %rem3A_1026 : i32
        %jit3A_1037 = arith.constant 32 : i32
        %div3A_1038 = arith.divsi %add3A_227, %jit3A_1037 : i32
        %sign3A_1039 = arith.constant 0 : i32
        %sign3A_1040 = arith.cmpi sgt, %add3A_227, %sign3A_1039 : i32
        %sign3A_1041 = arith.extui %sign3A_1040 : i1 to i32
        %sign3A_1042 = arith.constant 0 : i32
        %sign3A_1043 = arith.cmpi slt, %add3A_227, %sign3A_1042 : i32
        %sign3A_1044 = arith.extui %sign3A_1043 : i1 to i32
        %sign3A_1045 = arith.subi %sign3A_1041, %sign3A_1044 : i32
        %sign3A_1046 = arith.constant 0 : i32
        %sign3A_1047 = arith.cmpi sgt, %jit3A_1037, %sign3A_1046 : i32
        %sign3A_1048 = arith.extui %sign3A_1047 : i1 to i32
        %sign3A_1049 = arith.constant 0 : i32
        %sign3A_1050 = arith.cmpi slt, %jit3A_1037, %sign3A_1049 : i32
        %sign3A_1051 = arith.extui %sign3A_1050 : i1 to i32
        %sign3A_1052 = arith.subi %sign3A_1048, %sign3A_1051 : i32
        %ne3A_1053 = arith.cmpi ne, %sign3A_1045, %sign3A_1052 : i32
        %rem3A_1054 = arith.remsi %add3A_227, %jit3A_1037 : i32
        %ne3A_1055 = arith.constant 0 : i32
        %ne3A_1056 = arith.cmpi ne, %rem3A_1054, %ne3A_1055 : i32
        %and3A_1057 = arith.andi %ne3A_1053, %ne3A_1056 : i1
        %sub3A_1058 = arith.constant 1 : i32
        %sub3A_1059 = arith.subi %div3A_1038, %sub3A_1058 : i32
        %select_n3A_1060 = arith.select %and3A_1057, %sub3A_1059, %div3A_1038 : i32
        %jit3A_1061 = arith.constant 32 : i32
        %eq3A_1062 = arith.constant 0 : i32
        %eq3A_1063 = arith.cmpi eq, %jit3A_1061, %eq3A_1062 : i32
        %jit3A_1064 = arith.constant 1 : i32
        %select_n3A_1065 = arith.select %eq3A_1063, %jit3A_1064, %jit3A_1061 : i32
        %rem3A_1066 = arith.remsi %add3A_227, %select_n3A_1065 : i32
        %ne3A_1067 = arith.constant 0 : i32
        %ne3A_1068 = arith.cmpi ne, %rem3A_1066, %ne3A_1067 : i32
        %lt3A_1069 = arith.constant 0 : i32
        %lt3A_1070 = arith.cmpi slt, %rem3A_1066, %lt3A_1069 : i32
        %lt3A_1071 = arith.constant 0 : i32
        %lt3A_1072 = arith.cmpi slt, %select_n3A_1065, %lt3A_1071 : i32
        %ne3A_1073 = arith.xori %lt3A_1070, %lt3A_1072 : i1
        %and3A_1074 = arith.andi %ne3A_1073, %ne3A_1068 : i1
        %add3A_1075 = arith.addi %rem3A_1066, %select_n3A_1065 : i32
        %select_n3A_1076 = arith.select %and3A_1074, %add3A_1075, %rem3A_1066 : i32
        %ne3A_1077 = arith.cmpi ne, %select_n3A_1020, %select_n3A_1060 : i32
        %ne3A_1078 = arith.cmpi ne, %select_n3A_1036, %select_n3A_1076 : i32
        %or3A_1079 = arith.constant false
        %or3A_1080 = arith.ori %or3A_1079, %ne3A_1077 : i1
        %or3A_1081 = arith.ori %or3A_1080, %ne3A_1078 : i1
        %or3A_1082 = arith.ori %or3A_1081, %eq3A_208 : i1
        %add3A_1083 = arith.constant 1 : i32
        %add3A_1084 = arith.addi %scan3A_201, %add3A_1083 : i32
        %select_n3A_1085 = arith.select %or3A_1082, %add3A_1084, %scan3A_201 : i32
        %add3A_1086 = arith.constant 1 : i32
        %add3A_1087 = arith.addi %scan3A_204, %add3A_1086 : i32
        %select_n3A_1088 = arith.constant true
        %select_n3A_1089 = arith.select %select_n3A_1088, %add3A_1087, %scan3A_204 : i32
        %eq3A_1090 = arith.constant 50 : i32
        %eq3A_1091 = arith.cmpi eq, %select_n3A_1089, %eq3A_1090 : i32
        %select_n3A_1092 = arith.constant 0 : i32
        %select_n3A_1093 = arith.select %eq3A_1091, %select_n3A_1092, %select_n3A_1089 : i32
        scf.yield %select_n3A_329, %select_n3A_1085, %select_n3A_805, %select_n3A_996, %select_n3A_1093 : i32, i32, i32, i32, i32
      }
      %scan3A_101 = arith.constant 50 : i32
      %sub3A_102 = arith.constant 1 : i32
      %sub3A_103 = arith.subi %scan3A_100#4, %sub3A_102 : i32
      %select_n3A_104 = arith.constant true
      %select_n3A_105 = arith.select %select_n3A_104, %sub3A_103, %scan3A_100#4 : i32
      %eq3A_106 = arith.constant -1 : i32
      %eq3A_107 = arith.cmpi eq, %select_n3A_105, %eq3A_106 : i32
      %select_n3A_108 = arith.constant 49 : i32
      %select_n3A_109 = arith.select %eq3A_107, %select_n3A_108, %select_n3A_105 : i32
      %add3A_110 = arith.addi %select_n3A_109, %mul3A_6 : i32
      %sub3A_111 = arith.constant 1 : i32
      %sub3A_112 = arith.subi %select_n3A_109, %sub3A_111 : i32
      %select_n3A_113 = arith.constant true
      %select_n3A_114 = arith.select %select_n3A_113, %sub3A_112, %select_n3A_109 : i32
      %eq3A_115 = arith.constant -1 : i32
      %eq3A_116 = arith.cmpi eq, %select_n3A_114, %eq3A_115 : i32
      %select_n3A_117 = arith.constant 49 : i32
      %select_n3A_118 = arith.select %eq3A_116, %select_n3A_117, %select_n3A_114 : i32
      %add3A_119 = arith.addi %select_n3A_118, %mul3A_6 : i32
      %add3A_120 = arith.constant 1 : i32
      %add3A_121 = arith.addi %select_n3A_109, %add3A_120 : i32
      %select_n3A_122 = arith.constant true
      %select_n3A_123 = arith.select %select_n3A_122, %add3A_121, %select_n3A_109 : i32
      %eq3A_124 = arith.constant 50 : i32
      %eq3A_125 = arith.cmpi eq, %select_n3A_123, %eq3A_124 : i32
      %select_n3A_126 = arith.constant 0 : i32
      %select_n3A_127 = arith.select %eq3A_125, %select_n3A_126, %select_n3A_123 : i32
      %add3A_128 = arith.addi %select_n3A_127, %mul3A_6 : i32
      %add3A_129 = arith.constant 1 : i32
      %add3A_130 = arith.addi %select_n3A_127, %add3A_129 : i32
      %select_n3A_131 = arith.constant true
      %select_n3A_132 = arith.select %select_n3A_131, %add3A_130, %select_n3A_127 : i32
      %eq3A_133 = arith.constant 50 : i32
      %eq3A_134 = arith.cmpi eq, %select_n3A_132, %eq3A_133 : i32
      %select_n3A_135 = arith.constant 0 : i32
      %select_n3A_136 = arith.select %eq3A_134, %select_n3A_135, %select_n3A_132 : i32
      %add3A_137 = arith.addi %select_n3A_136, %mul3A_6 : i32
      "tpu.trace_start"() <{level = 10 : i32, message = "ep_finalize"}> : () -> ()
      %rem3A_138 = arith.constant 2 : i32
      %rem3A_139 = arith.remui %scan3A_100#3, %rem3A_138 : i32
      %jit3A_140 = arith.constant 32 : i32
      %div3A_141 = arith.divsi %add3A_110, %jit3A_140 : i32
      %sign3A_142 = arith.constant 0 : i32
      %sign3A_143 = arith.cmpi sgt, %add3A_110, %sign3A_142 : i32
      %sign3A_144 = arith.extui %sign3A_143 : i1 to i32
      %sign3A_145 = arith.constant 0 : i32
      %sign3A_146 = arith.cmpi slt, %add3A_110, %sign3A_145 : i32
      %sign3A_147 = arith.extui %sign3A_146 : i1 to i32
      %sign3A_148 = arith.subi %sign3A_144, %sign3A_147 : i32
      %sign3A_149 = arith.constant 0 : i32
      %sign3A_150 = arith.cmpi sgt, %jit3A_140, %sign3A_149 : i32
      %sign3A_151 = arith.extui %sign3A_150 : i1 to i32
      %sign3A_152 = arith.constant 0 : i32
      %sign3A_153 = arith.cmpi slt, %jit3A_140, %sign3A_152 : i32
      %sign3A_154 = arith.extui %sign3A_153 : i1 to i32
      %sign3A_155 = arith.subi %sign3A_151, %sign3A_154 : i32
      %ne3A_156 = arith.cmpi ne, %sign3A_148, %sign3A_155 : i32
      %rem3A_157 = arith.remsi %add3A_110, %jit3A_140 : i32
      %ne3A_158 = arith.constant 0 : i32
      %ne3A_159 = arith.cmpi ne, %rem3A_157, %ne3A_158 : i32
      %and3A_160 = arith.andi %ne3A_156, %ne3A_159 : i1
      %sub3A_161 = arith.constant 1 : i32
      %sub3A_162 = arith.subi %div3A_141, %sub3A_161 : i32
      %select_n3A_163 = arith.select %and3A_160, %sub3A_162, %div3A_141 : i32
      %jit3A_164 = arith.constant 32 : i32
      %eq3A_165 = arith.constant 0 : i32
      %eq3A_166 = arith.cmpi eq, %jit3A_164, %eq3A_165 : i32
      %jit3A_167 = arith.constant 1 : i32
      %select_n3A_168 = arith.select %eq3A_166, %jit3A_167, %jit3A_164 : i32
      %rem3A_169 = arith.remsi %add3A_110, %select_n3A_168 : i32
      %ne3A_170 = arith.constant 0 : i32
      %ne3A_171 = arith.cmpi ne, %rem3A_169, %ne3A_170 : i32
      %lt3A_172 = arith.constant 0 : i32
      %lt3A_173 = arith.cmpi slt, %rem3A_169, %lt3A_172 : i32
      %lt3A_174 = arith.constant 0 : i32
      %lt3A_175 = arith.cmpi slt, %select_n3A_168, %lt3A_174 : i32
      %ne3A_176 = arith.xori %lt3A_173, %lt3A_175 : i1
      %and3A_177 = arith.andi %ne3A_176, %ne3A_171 : i1
      %add3A_178 = arith.addi %rem3A_169, %select_n3A_168 : i32
      %select_n3A_179 = arith.select %and3A_177, %add3A_178, %rem3A_169 : i32
      %mul3A_180 = arith.constant 1 : i32
      %mul3A_181 = arith.muli %mul3A_180, %select_n3A_163 : i32
      %mul3A_182 = arith.constant 512 : i32
      %mul3A_183 = arith.muli %mul3A_182, %select_n3A_179 : i32
      %dma_wait3A = arith.constant 0 : i32
      %dma_wait3A_184 = arith.constant 0 : i32
      %dma_wait3A_185 = arith.constant 0 : i32
      %dma_wait3A_186 = tpu.memref_slice %run_scoped3A_8[%rem3A_139, %dma_wait3A, %dma_wait3A_184, %dma_wait3A_185] : memref<2x1x16x512xf32, #tpu.memory_space<vmem>> -> memref<1x1x16x512xf32, #tpu.memory_space<vmem>>
      %dma_wait3A_187 = tpu.memref_squeeze %dma_wait3A_186 : memref<1x1x16x512xf32, #tpu.memory_space<vmem>> -> memref<1x16x512xf32, #tpu.memory_space<vmem>>
      %dma_wait3A_188 = arith.constant 0 : i32
      %dma_wait3A_189 = tpu.memref_slice %arg4[%mul3A_181, %dma_wait3A_188, %mul3A_183] : memref<50x16x16384xf32, #tpu.memory_space<hbm>> -> memref<1x16x512xf32, #tpu.memory_space<hbm>>
      %dma_wait3A_190 = tpu.memref_slice %run_scoped3A_9[%rem3A_139] : memref<2x!tpu.dma_semaphore, #tpu.memory_space<semaphore_mem>> -> memref<1x!tpu.dma_semaphore, #tpu.memory_space<semaphore_mem>>
      %dma_wait3A_191 = tpu.memref_squeeze %dma_wait3A_190 : memref<1x!tpu.dma_semaphore, #tpu.memory_space<semaphore_mem>> -> memref<!tpu.dma_semaphore, #tpu.memory_space<semaphore_mem>>
      %dma_wait3A_192 = arith.constant 0 : i32
      %dma_wait3A_193 = tpu.memref_slice %arg4[%mul3A_181, %dma_wait3A_192, %mul3A_183] : memref<50x16x16384xf32, #tpu.memory_space<hbm>> -> memref<1x16x512xf32, #tpu.memory_space<hbm>>
      %dma_wait3A_194 = arith.constant 0 : i32
      %dma_wait3A_195 = arith.constant 0 : i32
      %dma_wait3A_196 = arith.constant 0 : i32
      %dma_wait3A_197 = tpu.memref_slice %run_scoped3A_8[%rem3A_139, %dma_wait3A_194, %dma_wait3A_195, %dma_wait3A_196] : memref<2x1x16x512xf32, #tpu.memory_space<vmem>> -> memref<1x1x16x512xf32, #tpu.memory_space<vmem>>
      %dma_wait3A_198 = tpu.memref_squeeze %dma_wait3A_197 : memref<1x1x16x512xf32, #tpu.memory_space<vmem>> -> memref<1x16x512xf32, #tpu.memory_space<vmem>>
      tpu.wait_dma2 semaphore(%dma_wait3A_191 : memref<!tpu.dma_semaphore, #tpu.memory_space<semaphore_mem>>) src(%dma_wait3A_198 : memref<1x16x512xf32, #tpu.memory_space<vmem>>) dst(%dma_wait3A_193 : memref<1x16x512xf32, #tpu.memory_space<hbm>>)
      "tpu.trace_stop"() : () -> ()
      tpu.yield
    }) : () -> ()
    return
  }
}

</mosaic_0001>

<sc_bundles>
// kernel: kernel.3.cloned.1.call-start
scs
__scs_entry_jumppad:
0x0: {  	(pc) =	sbr.rel $0x88, $3  }
0x1: {  	(tag) =	ssettag $0x0;
	lr =	simm.s32 $0x1  }
0x2: {  	[smem:$0x3F9F] =	sst lr;
	_ =	strace $0xD0000000  }
0x3: {  	_ = 	snop  }
0x4: {  	_ = 	snop  }
0x5: {  	_ = 	snop  }
0x6: {  	_ = 	snop  }
0x7: {  	_ = 	snop  }
__scs_overlays_trampoline_lowered:
0x8: {  	[smem:$0x3FAE] =	sst s0  }
0x9: {  	[smem:$0x3FAF] =	sst s1  }
0xa: {  	[smem:$0x3FB0] =	sst s2  }
0xb: {  	[smem:$0x3FB1] =	sst s3  }
0xc: {  	[smem:$0x3FB2] =	sst s4  }
0xd: {  	[smem:$0x3FB3] =	sst s5  }
0xe: {  	[smem:$0x3FB4] =	sst s6  }
0xf: {  	[smem:$0x3FB5] =	sst s7  }
0x10: {  	[smem:$0x3FB6] =	sst s8  }
0x11: {  	[smem:$0x3FB7] =	sst s9;
	s0 =	simm.s32 @!p0 $0x0  }
0x12: {  	s1 =	sld [smem:$0x3F9D];
	s0 =	simm.s32 @p0 $0x1  }
0x13: {  	[smem:$0x3FB8] =	sst s0;
	s0 =	simm.s32 @!p1 $0x0  }
0x14: {  	s2 =	sld [smem:$0x3F9C];
	s0 =	simm.s32 @p1 $0x1  }
0x15: {  	[smem:$0x3FB9] =	sst s0;
	s0 =	simm.s32 @!p2 $0x0  }
0x16: {  	s3 =	sld [smem:$0x3FDB];
	s0 =	simm.s32 @p2 $0x1  }
0x17: {  	s4 =	simm.s32 $0x1BF5;
	[smem:$0x3FBB] =	sst s0  }
0x18: {  	s0 =	sld [smem:$0x3F9E];
	_ =	swait.ge [sflag:s4], $0x0  }
0x19: {  	s7 =	sld [smem:$0x3F9F]  }
0x1a: {  	s8 =	sadd.s32 $0xFFFFE003, lr  }
0x1b: {  	s9 =	sadd.s32 $0xFFFFFEF7, lr;
	s5 =	simm.s32 $0xFFFFFFFF;
	p2 =	slt.u32 s8, $0xFFFFF086  }
0x1c: {  	p1 =	slt.u32 s9, $0xF7A;
	s5 =	simm.s32 @!p2 $0x0  }
0x1d: {  	s5 =	simm.s32 @p1 $0x1;
	p0 =	seq.s32 s7, s2  }
0x1e: {  	s7 =	smul.u32 @!p0 $0xF7A, s2;
	p2 =	seq.s32 @!p0 s5, $0x0  }
0x1f: {  	s9 =	smul.u32 $0xF7A, s1;
	s8 =	simm.s32 @!p0 $0x1BF5;
	p2 =	por !p2, p0  }
0x20: {  	[sflag:s8] =	ssyncset.s32 @!p0 $0xFFFFF086;
	s6 =	sadd.s32 @!p0 s3, s7;
	s7 =	simm.s32 @!p0 $0x108  }
0x21: {  	s3 =	sadd.s32 s3, s9;
	s6 =	sadd.s32 @!p0 $0x88, s6;
	s7 =	simm.s32 @p2 $0x1082  }
0x22: {  	[simem:s7], [sflag:s8] =	dma.local @!p0 [hbm:s6], $0xF7A  }
0x23: {  	s9 =	sor.u32 $0xD0000000, s2;
	s6 =	simm.s32 $0x108;
	_ =	swait.ge @!p0 [sflag:s8], $0x0  }
0x24: {  	s3 =	sadd.s32 $0x88, s3;
	s6 =	simm.s32 @!p1 $0x1082;
	[sflag:s4] =	ssyncset.s32 $0xFFFFF086  }
0x25: {  	[simem:s6], [sflag:s4] =	dma.local [hbm:s3], $0xF7A  }
0x26: {  	[smem:$0x3F9F] =	sst s1;
	(tag) =	ssettag s2;
	_ =	strace s9  }
0x27: {  	s1 =	sld [smem:$0x3FAF]  }
0x28: {  	s2 =	sld [smem:$0x3FB0]  }
0x29: {  	s4 =	sld [smem:$0x3FB2]  }
0x2a: {  	p0 =	seq.s32 s5, $0x0;
	s5 =	sld [smem:$0x3FB3]  }
0x2b: {  	s6 =	sld [smem:$0x3FB4]  }
0x2c: {  	s7 =	sld [smem:$0x3FB5]  }
0x2d: {  	s3 =	simm.s32 $0x108;
	s8 =	sld [smem:$0x3FB6]  }
0x2e: {  	s3 =	simm.s32 @!p0 $0x1082;
	s9 =	sld [smem:$0x3FB7]  }
0x2f: {  	lr =	sadd.s32 s0, s3;
	s0 =	sld [smem:$0x3FAE]  }
0x30: {  	s3 =	sld [smem:$0x3FB1]  }
0x31: {  	[smem:$0x3FBA] =	sst s10  }
0x32: {  	s10 =	sld [smem:$0x3FB8];
	_ =	sdelay $0x3  }
0x33: {  	p0 =	seq.s32 s10, $0x1;
	s10 =	sld [smem:$0x3FBA];
	_ =	sdelay $0x3  }
0x34: {  	[smem:$0x3FBA] =	sst s10  }
0x35: {  	s10 =	sld [smem:$0x3FB9];
	_ =	sdelay $0x3  }
0x36: {  	p1 =	seq.s32 s10, $0x1;
	s10 =	sld [smem:$0x3FBA];
	_ =	sdelay $0x3  }
0x37: {  	[smem:$0x3FBA] =	sst s10  }
0x38: {  	s10 =	sld [smem:$0x3FBB]  }
0x39: {  	_ = 	snop;
	(pc) =	sbr.ind lr, $3  }
0x3a: {  	_ = 	snop  }
0x3b: {  	_ = 	snop  }
0x3c: {  	p2 =	seq.s32 s10, $0x1;
	s10 =	sld [smem:$0x3FBA]  }
0x3d: {  	_ =	shalt  }
0x3e: {  	_ =	shalt  }
0x3f: {  	_ =	shalt  }
0x40: {  	_ =	shalt  }
0x41: {  	_ =	shalt  }
0x42: {  	_ =	shalt  }
0x43: {  	_ =	shalt  }
0x44: {  	_ =	shalt  }
0x45: {  	_ =	shalt  }
0x46: {  	_ =	shalt  }
0x47: {  	_ =	shalt  }
0x48: {  	_ =	shalt  }
0x49: {  	_ =	shalt  }
0x4a: {  	_ =	shalt  }
0x4b: {  	_ =	shalt  }
0x4c: {  	_ =	shalt  }
0x4d: {  	_ =	shalt  }
0x4e: {  	_ =	shalt  }
0x4f: {  	_ =	shalt  }
0x50: {  	_ =	shalt  }
0x51: {  	_ =	shalt  }
0x52: {  	_ =	shalt  }
0x53: {  	_ =	shalt  }
0x54: {  	_ =	shalt  }
0x55: {  	_ =	shalt  }
0x56: {  	_ =	shalt  }
0x57: {  	_ =	shalt  }
0x58: {  	_ =	shalt  }
0x59: {  	_ =	shalt  }
0x5a: {  	_ =	shalt  }
0x5b: {  	_ =	shalt  }
0x5c: {  	_ =	shalt  }
0x5d: {  	_ =	shalt  }
0x5e: {  	_ =	shalt  }
0x5f: {  	_ =	shalt  }
0x60: {  	_ =	shalt  }
0x61: {  	_ =	shalt  }
0x62: {  	_ =	shalt  }
0x63: {  	_ =	shalt  }
0x64: {  	_ =	shalt  }
0x65: {  	_ =	shalt  }
0x66: {  	_ =	shalt  }
0x67: {  	_ =	shalt  }
0x68: {  	_ =	shalt  }
0x69: {  	_ =	shalt  }
0x6a: {  	_ =	shalt  }
0x6b: {  	_ =	shalt  }
0x6c: {  	_ =	shalt  }
0x6d: {  	_ =	shalt  }
0x6e: {  	_ =	shalt  }
0x6f: {  	_ =	shalt  }
0x70: {  	_ =	shalt  }
0x71: {  	_ =	shalt  }
0x72: {  	_ =	shalt  }
0x73: {  	_ =	shalt  }
0x74: {  	_ =	shalt  }
0x75: {  	_ =	shalt  }
0x76: {  	_ =	shalt  }
0x77: {  	_ =	shalt  }
0x78: {  	_ =	shalt  }
0x79: {  	_ =	shalt  }
0x7a: {  	_ =	shalt  }
0x7b: {  	_ =	shalt  }
0x7c: {  	_ =	shalt  }
0x7d: {  	_ =	shalt  }
0x7e: {  	_ =	shalt  }
0x7f: {  	_ =	shalt  }
0x80: {  	_ =	shalt  }
0x81: {  	_ =	shalt  }
0x82: {  	_ =	shalt  }
0x83: {  	_ =	shalt  }
0x84: {  	_ =	shalt  }
0x85: {  	_ =	shalt  }
0x86: {  	_ =	shalt  }
0x87: {  	_ =	shalt  }
.Lfunc_end0:
.L_simem_size_0:
called_computation_lowered:
.L_overlay_start_0:
0x88: {  	s2 =	sld [smem:$0x3FD9]  }
0x89: {  	s3 =	sld [smem:$0x3FFE];
	_ =	sdelay $0x1  }
0x8a: {  	s1 =	srdreg.scid  }
0x8b: {  	s0 =	sand.u32 $0x1, s1  }
0x8c: {  	s17 =	sshll.u32 s0, $0xA;
	s2 =	sadd.s32 s3, s2  }
0x8d: {  	s2 =	sadd.s32 s2, s17  }
0x8e: {  	[smem:$0x3FC6] =	sst s2  }
0x8f: {  	_ = 	snop  }
0x90: {  	s2 =	sld [smem:$0x3FC9]  }
0x91: {  	s18 =	sld [smem:$0x3FD0];
	(tm) =	ssettm $0x1  }
0x92: {  	s4 =	sld [smem:$0x3FFB];
	_ =	sdelay $0x3  }
0x93: {  	_ =	strace s4  }
0x94: {  	s4 =	sld [smem:$0x3FFC];
	_ =	sdelay $0x3  }
0x95: {  	_ =	strace s4  }
0x96: {  	s4 =	sld [smem:$0x3FFD];
	_ =	sdelay $0x3  }
0x97: {  	_ =	strace s4  }
0x98: {  	_ =	strace $0x8FFFFFFF  }
0x99: {  	s19 =	sld [smem:$0x3FDB];
	_ =	sdelay $0x1  }
0x9a: {  	s5 =	simm.s32 $_scs_section_size  }
0x9b: {  	s6 =	simm.s32 $_size__tile_overlayer_lowered;
	s7 =	simm.s32 $_tile_overlayer_lowered  }
0x9c: {  	s22 =	simm.s32 $0x1BFF;
	s21 =	sshll.u32 s7, $0x1;
	s4 =	sadd.s32 s5, s19  }
0x9d: {  	s8 =	simm.s32 $0x0;
	s20 =	sshll.u32 s6, $0x1;
	s6 =	sadd.s32 s21, s4  }
0x9e: {  	[timem:s8], [sflag:s22] =	dma.local [hbm:s6], s20  }
0x9f: {  	_ =	swait.ge [sflag:s22], s20  }
0xa0: {  	s5 =	ssub.s32 $0x0, s20;
	[sflag:s22] =	ssyncset.done $0x0  }
0xa1: {  	[sflag:s22] =	ssyncadd.s32 s5;
	_ =	sdelay $0x1  }
0xa2: {  	s23 =	simm.s32 $0x1B8B  }
0xa3: {  	_ =	swait.ge [sflag:s23], $0x1  }
0xa4: {  	[sflag:s23] =	ssyncset.done $0x0  }
0xa5: {  	s25 =	simm.s32 $0x1B8E;
	s24 =	sld [smem:$0x3FFE];
	[sflag:s23] =	ssyncadd.s32 $0xFFFFFFFF  }
0xa6: {  	s26 =	simm.s32 $execute0_lowered;
	[smem:$0x3FD2] =	sst s25  }
0xa7: {  	s6 =	sshll.u32 s26, $0x1;
	_ =	strace $0x80000046;
	[dreg:$0x1] =	wrdreg $0xFFFFFFFF  }
0xa8: {  	s28 =	simm.s32 $_size_execute0_lowered;
	s4 =	sadd.s32 s4, s6;
	[dreg:$0x0] =	wrdreg $0x0  }
0xa9: {  	s6 =	sshll.u32 s28, $0x1;
	[dreg:$0x2] =	wrdreg s4  }
0xaa: {  	[dreg:$0x3] =	wrdreg s6  }
0xab: {  	[dreg:$0x4] =	wrdreg $0xC0  }
0xac: {  	_ =	task [dreg:s8], $0x5FFFF  }
0xad: {  	[dreg:$0x1] =	wrdreg $0xFFFFFFFF  }
0xae: {  	[dreg:$0x0] =	wrdreg $0x60  }
0xaf: {  	[dreg:$0x2] =	wrdreg s24  }
0xb0: {  	[dreg:$0x3] =	wrdreg s2  }
0xb1: {  	[dreg:$0x4] =	wrdreg s18  }
0xb2: {  	[dreg:$0x5] =	wrdreg $0x9  }
0xb3: {  	_ =	task.clear_ibuf [dreg:s8], $0x6FFFF;
	_ =	strace $0x90000046  }
0xb4: {  	s29 =	simm.s32 $0x9;
	_ =	strace $0x8000004F  }
0xb5: {  	_ =	swait.ge [sflag:s29], $0x1  }
0xb6: {  	[sflag:s29] =	ssyncadd.s32 $0xFFFFFFFF  }
0xb7: {  	_ =	strace $0x9000004F  }
0xb8: {  	_ =	sfence  }
0xb9: {  	s30 =	sld [smem:$0x0];
	_ =	sdelay $0x2  }
0xba: {  	s31 =	sshll.u32 s1, $0xD;
	s1 =	sshrl.u32 s1, $0x2  }
0xbb: {  	s3 =	sand.u32 $0x4000, s31;
	s1 =	sadd.s32 s1, s30  }
0xbc: {  	s0 =	sor.u32 s3, s0;
	s1 =	sshll.u32 s1, $0x11  }
0xbd: {  	s0 =	sor.u32 s1, s0  }
0xbe: {  	s0 =	sadd.s32 $0x8F2B, s0  }
0xbf: {  	[sflag:s0] =	ssyncadd.remote.s32 $0x1  }
0xc0: {  	_ =	sfence.sel $0xFFFF  }
0xc1: {  	[dreg:$0x0] =	wrdreg $0xFFFFFFFF;
	(pc) =	sbr.abs _section_cstart, $3  }
0xc2: {  	[dreg:$0x1] =	wrdreg $0xFFFFFFFF  }
0xc3: {  	_ =	task.clear_ibuf [dreg:s8], $0x2FFFF;
	_ =	strace $0x9FFFFFFF  }
0xc4: {  	(tm) =	ssettm $0x7FFFFFFF  }
0xc5: {  	_ =	shalt  }
tec
execute0_lowered:
.L_overlay_start_1:
0x0: {  	(tag) =	ssettag $0x1  }
0x1: {  	s0 =	srdreg.scid  }
0x2: {  	s0 =	sand.u32 $0x1, s0  }
0x3: {  	s2 =	stileid.u32;
	s1 =	sshll.u32 s0, $0x4  }
0x4: {  	s1 =	sor.u32 s2, s1  }
0x5: {  	s6 =	rddreg [dreg:$0x0];
	s3 =	smul.u32 $0x32, s1  }
0x6: {  	s29 =	rddreg [dreg:$0x1];
	s4 =	simm.s32 $0x0;
	s1 =	smul.u32 $0x12000, s1  }
0x7: {  	s10 =	simm.s32 $0x400;
	s0 =	ssub.s32 $0x2, s0;
	s5 =	sshll.u32 s3, $0x9  }
0x8: {  	s1 =	sand.u32 $0x1E000, s1;
	s8 =	sshll.u32 s3, $0x2;
	s7 =	sand.u32 $0xE0000, s5  }
0x9: {  	s31 =	sshrl.u32 s0, $0x1;
	s30 =	sand.u32 $0x380, s8;
	s1 =	sor.u32 s1, s7  }
0xa: {  	s12 =	simm.s32 $0x1;
	s0 =	ssub.s32 s0, s31;
	s1 =	sor.u32 s30, s1  }
0xb: {  	[smem:$0x7FF] =	sst s4;
	s0 =	smax.u32 s0, $0x1;
	s1 =	sshrl.u32 s1, $0x3  }
0xc: {  	v0 =	vlaneseq.u32;
	_ =	strace $0x80000047;
	[dreg:$0x6] =	wrdreg s0;
	s1 =	sadd.s32 s29, s1  }
0xd: {  	s24 =	simm.s32 $0x0;
	s6 =	sadd.s32 $0xF42800, s6;
	v0 =	vmul.u32 $0x80, v0;
	[dreg:$0x5] =	wrdreg s1  }
.LBB2_1:
0xe: {  	[dreg:$0x4] =	wrdreg s4;
	s1 =	simm.s32 $0x80;
	s2 =	simm.s32 $0x10400  }
0xf: {  	s15 =	simm.s32 $0x0;
	s14 =	simm.s32 $0x0;
	_ =	strace $0x80000048  }
0x10: {  	s16 =	simm.s32 $0x0;
	s17 =	simm.s32 $0x0;
	s0 =	rddreg [dreg:$0x5]  }
0x11: {  	[tilespmem:s2], [sflag:$0x2] =	stream.strided.gather [hbm4b:s0+s1], $0x200, s10, s1, $0x200038;
	[tilespmem:$0x14800] =	vst v63  }
0x12: {  	s18 =	simm.s32 $0x1;
	s19 =	simm.s32 $0x0;
	_ =	strace $0x90000048  }
.LBB2_2:
0x13: {  	s0 =	sadd.s32 s3, s15  }
0x14: {  	s1 =	sadd.s32 $0xFFFFFFFF, s15;
	p1 =	seq.s32 s15, $0x0;
	s15 =	sadd.s32 $0x1, s15  }
0x15: {  	p0 =	seq.s32 s15, $0x32  }
0x16: {  	s15 =	simm.s32 @p0 $0x0  }
0x17: {  	s9 =	sshra.s32 s0, $0x1F;
	s7 =	sadd.s32 s3, s15  }
0x18: {  	s9 =	sshrl.u32 s9, $0x1B;
	s11 =	sshra.s32 s7, $0x1F  }
0x19: {  	s9 =	sadd.s32 s9, s0;
	s11 =	sshrl.u32 s11, $0x1B  }
0x1a: {  	s20 =	sshra.s32 s9, $0x5;
	s9 =	sand.u32 $0xFFFFFFE0, s9;
	s11 =	sadd.s32 s11, s7  }
0x1b: {  	p5 =	slt.s32 s0, $0x1;
	p2 =	sne.s32 s0, s9;
	s25 =	sand.u32 $0xFFFFFFE0, s11  }
0x1c: {  	p6 =	slt.s32 s7, $0x1;
	p0 =	por !p5, !p2;
	p3 =	sne.s32 s7, s25  }
0x1d: {  	s9 =	simm.s32 $0x1;
	p0 =	por !p0, !p0;
	p2 =	por !p6, !p3  }
0x1e: {  	s22 =	simm.s32 $0x1;
	s9 =	simm.s32 @!p0 $0x0;
	p0 =	por !p2, !p2  }
0x1f: {  	s21 =	sand.u32 $0x1F, s0;
	s26 =	sshra.s32 s11, $0x5;
	s22 =	simm.s32 @!p0 $0x0  }
0x20: {  	s7 =	sand.u32 $0x1F, s7;
	s20 =	ssub.s32 s20, s9;
	s0 =	ssub.s32 s26, s22  }
0x21: {  	p5 =	sne.s32 s21, s7;
	p4 =	sne.s32 s20, s0  }
0x22: {  	p6 =	sne.s32 s19, $0x31;
	p0 =	por p5, p4  }
0x23: {  	s1 =	simm.s32 @p1 $0x31;
	p2 =	por !p6, !p0  }
0x24: {  	s1 =	sadd.s32 s3, s1;
	p2 =	por !p2, !p2  }
0x25: {  	s28 =	sshra.s32 s1, $0x1F;
	s9 =	sshll.u32 @p2 s0, $0xE;
	s7 =	sshll.u32 @p2 s7, $0xC  }
0x26: {  	s0 =	sshll.u32 @p2 s0, $0x7;
	_ =	strace @p2 $0x80000049;
	s9 =	sand.u32 @p2 $0xFFFE0000, s9  }
0x27: {  	s11 =	simm.s32 @p2 $0x80;
	s0 =	sand.u32 @p2 $0x380, s0;
	s7 =	sor.u32 @p2 s7, s9  }
0x28: {  	s22 =	simm.s32 @p2 $0x400;
	s9 =	sand.u32 @p2 $0x1, s18;
	s0 =	sor.u32 @p2 s0, s7  }
0x29: {  	s2 =	rddreg [dreg:$0x1];
	s7 =	sshll.u32 @p2 s9, $0x9;
	s0 =	sshrl.u32 @p2 s0, $0x3  }
0x2a: {  	s9 =	sor.u32 @p2 $0x2, s9;
	s7 =	sor.u32 @p2 $0x10400, s7;
	s0 =	sadd.s32 @p2 s2, s0  }
0x2b: {  	[tilespmem:s7], [sflag:s9] =	stream.strided.gather @p2 [hbm4b:s0+s11], $0x200, s22, s11, $0x200038;
	[tilespmem:$0x14800] =	vst v63  }
0x2c: {  	s0 =	sshrl.u32 s28, $0x1B  }
0x2d: {  	s0 =	sadd.s32 s0, s1  }
0x2e: {  	s29 =	sand.u32 $0xFFFFFFE0, s0  }
0x2f: {  	p3 =	slt.s32 s1, $0x1;
	p4 =	sne.s32 s1, s29  }
0x30: {  	p1 =	por !p3, !p4  }
0x31: {  	s7 =	simm.s32 $0x1;
	p1 =	por !p1, !p1  }
0x32: {  	s0 =	sshra.s32 s0, $0x5;
	s7 =	simm.s32 @!p1 $0x0  }
0x33: {  	s1 =	sand.u32 $0x1F, s1;
	s0 =	ssub.s32 s0, s7  }
0x34: {  	p6 =	sne.s32 s21, s1;
	p5 =	sne.s32 s20, s0  }
0x35: {  	p4 =	seq.s32 s19, $0x0;
	p1 =	por p6, p5  }
0x36: {  	s30 =	sshll.u32 s17, $0x9;
	p3 =	por p4, p1  }
0x37: {  	_ =	strace @p2 $0x90000049;
	s1 =	sand.u32 $0x200, s30;
	s0 =	sand.u32 @p3 $0x1, s17  }
0x38: {  	s31 =	sor.u32 $0x10400, s1;
	_ =	strace @p3 $0x8000004A;
	s0 =	sor.u32 @p3 $0x2, s0  }
0x39: {  	v1 =	vmov s31;
	_ =	swait.ge @p3 [sflag:s0], $0x200  }
0x3a: {  	[sflag:s0] =	ssyncset.done @p3 $0x0  }
0x3b: {  	[sflag:s0] =	ssyncadd.s32 @p3 $0xFFFFFE00;
	s0 =	simm.s32 $0x1  }
0x3c: {  	s1 =	simm.s32 $0x40;
	_ =	strace @p3 $0x9000004A;
	s0 =	simm.s32 @!p2 $0x0  }
0x3d: {  	s18 =	sadd.s32 s0, s18;
	_ =	strace $0x8000004B;
	s0 =	simm.s32 $0x0  }
.LBB2_3:
0x3e: {  	p2 =	sne.s32 s1, $0x7C0;
	v2 =	vld.idx.msk [tilespmem:v1+s0+$0x0 ss:$0x1], $0xffff;
	_ =	sdelay $0x3  }
.Ltmp0:
0x3f: {  	(pc) =	sbr.rel @p2 .LBB2_3-.Ltmp0, $4  }
0x40: {  	_ = 	snop  }
0x41: {  	v3 =	vshra.s32 v2, $0x3;
	v2 =	vshll.u32 v2, $0x4  }
0x42: {  	v2 =	vand.u32 $0x70, v2;
	[tilespmem:s0+$0x0] =	vst v3  }
0x43: {  	[tilespmem:s0+$0x200] =	vst v2;
	s0 =	sshra.s32 s1, $0x2;
	s1 =	sadd.s32 $0x40, s1  }
0x44: {  	_ =	sdelay $0x3  }
0x45: {  	v1 =	vld.idx.msk [tilespmem:v1+s0+$0x0 ss:$0x1], $0xffff;
	_ =	sdelay $0x4  }
0x46: {  	v2 =	vshra.s32 v1, $0x3;
	v1 =	vshll.u32 v1, $0x4  }
0x47: {  	[tilespmem:s0+$0x0] =	vst v2;
	v1 =	vand.u32 $0x70, v1  }
0x48: {  	s30 =	simm.s32 $0x200;
	[tilespmem:s0+$0x200] =	vst v1  }
0x49: {  	[tilespmem:s10], [sflag:$0x1] =	stream.indirect.gather [hbm4b:s6+s30], $0x80, s24, s30, $0x2000b8;
	[tilespmem:$0x14800] =	vst v63  }
0x4a: {  	s22 =	sand.u32 $0x1, s16;
	_ =	swait.ge [sflag:s12], $0x10000  }
0x4b: {  	s31 =	sshll.u32 s22, $0xD;
	[sflag:s12] =	ssyncset.done $0x0  }
0x4c: {  	s25 =	simm.s32 $0x0;
	s23 =	sor.u32 $0x10800, s31;
	[sflag:s12] =	ssyncadd.s32 $0xFFFF0000  }
.LBB2_5:
0x4d: {  	s29 =	sshll.u32 s25, $0x4  }
0x4e: {  	v2 =	vld [tilespmem:s29+$0x200];
	_ =	sdelay $0x1  }
0x4f: {  	v1 =	vmov s29  }
0x50: {  	s0 =	sand.u32 $0x60, s29;
	v1 =	vshll.u32 v1, $0x7  }
0x51: {  	s26 =	simm.s32 $0x1;
	s1 =	simm.s32 $0x2;
	v3 =	vor.u32 v0, v1;
	v1 =	vmov s0  }
0x52: {  	s2 =	simm.s32 $0x3;
	s8 =	simm.s32 $0x5;
	s7 =	simm.s32 $0x6;
	v4 =	vadd.s32 s24, v2;
	v5 =	vadd.s32 s26, v2;
	v6 =	vadd.s32 s1, v2  }
0x53: {  	v10 =	vadd.s32 s2, v2;
	v13 =	vadd.s32 s8, v2;
	v14 =	vadd.s32 s7, v2  }
0x54: {  	v7 =	vand.u32 $0x7F, v4;
	v8 =	vand.u32 $0xFFFFFF80, v5;
	v9 =	vand.u32 $0xFFFFFF80, v6  }
0x55: {  	v4 =	vand.u32 $0xFFFFFF80, v4;
	v5 =	vand.u32 $0x7F, v5;
	v8 =	vadd.s32 v3, v8  }
0x56: {  	v6 =	vand.u32 $0x7F, v6;
	v9 =	vadd.s32 v3, v9;
	v5 =	vor.u32 v5, v8  }
0x57: {  	v4 =	vadd.s32 v3, v4;
	v8 =	vand.u32 $0xFFFFFF80, v10;
	v6 =	vor.u32 v6, v9  }
0x58: {  	s4 =	simm.s32 $0x4;
	s9 =	simm.s32 $0x7;
	v11 =	vand.u32 $0x7F, v10;
	v9 =	vor.u32 v7, v4;
	v8 =	vadd.s32 v3, v8  }
0x59: {  	v15 =	vadd.s32 s9, v2;
	v10 =	vadd.s32 s4, v2;
	v8 =	vor.u32 v11, v8  }
0x5a: {  	s5 =	sshll.u32 s25, $0x7;
	s31 =	simm.s32 $0x180;
	s30 =	simm.s32 $0x800;
	v7 =	vand.u32 $0xFFFFFF80, v13;
	v13 =	vand.u32 $0x7F, v13;
	v12 =	vand.u32 $0x7F, v10  }
0x5b: {  	s11 =	simm.s32 $0x100;
	s28 =	simm.s32 $0x380;
	s13 =	sand.u32 $0x1000, s24;
	v10 =	vand.u32 $0xFFFFFF80, v10;
	v11 =	vand.u32 $0xFFFFFF80, v14;
	v14 =	vand.u32 $0x7F, v14;
	v4 =	vld.idx.msk [tilespmem:v5+s10+$0x0], $0xffff  }
0x5c: {  	s11 =	sand.u32 $0x300, s11;
	s1 =	sand.u32 $0xC00, s5;
	s9 =	simm.s32 $0x0;
	v10 =	vadd.s32 v3, v10;
	v16 =	vadd.s32 v3, v11;
	v5 =	vadd.s32 v3, v7;
	v7 =	vld.idx.msk [tilespmem:v6+s10+$0x0], $0xffff  }
0x5d: {  	s8 =	simm.s32 $0x80;
	s26 =	sadd.s32 s1, s23;
	s1 =	simm.s32 $0x8;
	v11 =	vand.u32 $0x7F, v15;
	v6 =	vld.idx.msk [tilespmem:v9+s10+$0x0], $0xffff;
	v9 =	vor.u32 v13, v5;
	v13 =	vand.u32 $0xFFFFFF80, v15  }
0x5e: {  	s9 =	sand.u32 $0x200, s9;
	s7 =	sand.u32 $0x280, s8;
	s0 =	sadd.s32 s13, s26;
	v5 =	vld.idx.msk [tilespmem:v8+s10+$0x0], $0xffff;
	v8 =	vor.u32 v12, v10;
	v10 =	vor.u32 v14, v16;
	v12 =	vadd.s32 v3, v13  }
.LBB2_6:
0x5f: {  	s7 =	sadd.s32 s7, s0;
	s8 =	sadd.s32 s11, s0  }
0x60: {  	s11 =	smov.u32 s1;
	s5 =	sadd.s32 $0x4, s1;
	s2 =	smov.u32 s30  }
0x61: {  	v12 =	vor.u32 v11, v12;
	v13 =	vadd.s32 s11, v2;
	s4 =	sadd.s32 $0x1, s11;
	s13 =	sadd.s32 $0x2, s11;
	s11 =	sadd.s32 $0x3, s11;
	[tilespmem:v1+s7+$0x0 ss:$0x1] =	vst.idx.msk $0xffff, v4  }
0x62: {  	p2 =	slt.u32 s1, $0xC;
	s1 =	sadd.s32 s9, s0;
	v14 =	vand.u32 $0x7F, v13;
	v15 =	vadd.s32 s4, v2;
	v16 =	vadd.s32 s13, v2;
	[tilespmem:v1+s8+$0x0 ss:$0x1] =	vst.idx.msk $0xffff, v7  }
.Ltmp1:
0x63: {  	v17 =	vadd.s32 s11, v2;
	v7 =	vand.u32 $0xFFFFFF80, v15;
	v11 =	vand.u32 $0xFFFFFF80, v16;
	v4 =	vld.idx.msk [tilespmem:v9+s10+$0x0], $0xffff;
	[tilespmem:v1+s1+$0x0 ss:$0x1] =	vst.idx.msk $0xffff, v6;
	s1 =	sand.u32 $0x380, s31;
	s31 =	smov.u32 s28;
	(pc) =	sbr.rel @p2 .LBB2_6-.Ltmp1, $4  }
0x64: {  	s30 =	sadd.s32 $0x800, s30;
	s28 =	sadd.s32 $0x200, s28;
	v9 =	vadd.s32 v3, v7;
	v18 =	vadd.s32 v3, v11;
	v11 =	vand.u32 $0x7F, v17;
	v7 =	vld.idx.msk [tilespmem:v10+s10+$0x0], $0xffff;
	s0 =	sadd.s32 s1, s0  }
0x65: {  	v10 =	vand.u32 $0xFFFFFF80, v13;
	v13 =	vand.u32 $0x7F, v15;
	v15 =	vand.u32 $0x7F, v16;
	s1 =	sadd.s32 $0xFFFFFE80, s31;
	s4 =	sadd.s32 $0xFFFFFF80, s31;
	v6 =	vld.idx.msk [tilespmem:v8+s10+$0x0], $0xffff;
	[tilespmem:v1+s0+$0x0 ss:$0x1] =	vst.idx.msk $0xffff, v5;
	s0 =	sand.u32 $0x1000, s2  }
0x66: {  	v8 =	vadd.s32 v3, v10;
	v9 =	vor.u32 v13, v9;
	v13 =	vand.u32 $0xFFFFFF80, v17;
	s9 =	sand.u32 $0x200, s1;
	s1 =	sadd.s32 $0xFFFFFF00, s31;
	s11 =	sand.u32 $0x300, s4;
	v5 =	vld.idx.msk [tilespmem:v12+s10+$0x0], $0xffff  }
0x67: {  	v10 =	vor.u32 v15, v18;
	v8 =	vor.u32 v14, v8;
	v12 =	vadd.s32 v3, v13;
	s0 =	sadd.s32 s0, s26;
	s7 =	sand.u32 $0x280, s1;
	s1 =	smov.u32 s5  }
0x68: {  	v3 =	vld [tilespmem:s29+$0x210]  }
0x69: {  	s1 =	sor.u32 $0x10, s29  }
0x6a: {  	v2 =	vmov s1  }
0x6b: {  	v11 =	vor.u32 v11, v12;
	s4 =	sadd.s32 s7, s0;
	s1 =	sand.u32 $0x70, s1;
	v12 =	vshll.u32 v2, $0x7  }
0x6c: {  	s2 =	simm.s32 $0x1;
	s8 =	simm.s32 $0x2;
	[tilespmem:v1+s4+$0x0 ss:$0x1] =	vst.idx.msk $0xffff, v4;
	v2 =	vmov s1;
	s1 =	simm.s32 $0x0;
	v4 =	vor.u32 v0, v12  }
0x6d: {  	s11 =	sadd.s32 s11, s0;
	s13 =	sand.u32 $0x380, s31;
	s31 =	simm.s32 $0x3;
	v10 =	vld.idx.msk [tilespmem:v10+s10+$0x0], $0xffff;
	v13 =	vadd.s32 s2, v3;
	v12 =	vadd.s32 s1, v3;
	v14 =	vadd.s32 s8, v3  }
0x6e: {  	s5 =	sadd.s32 s9, s0;
	s9 =	sadd.s32 $0xFFFFFF80, s28;
	[tilespmem:v1+s11+$0x0 ss:$0x1] =	vst.idx.msk $0xffff, v7;
	v7 =	vld.idx.msk [tilespmem:v9+s10+$0x0], $0xffff;
	s7 =	sadd.s32 s13, s0;
	v17 =	vadd.s32 s31, v3;
	v9 =	vand.u32 $0x7F, v12;
	v15 =	vand.u32 $0xFFFFFF80, v13  }
0x6f: {  	s11 =	sand.u32 $0x1000, s30;
	s13 =	sadd.s32 $0xFFFFFF00, s28;
	s4 =	sand.u32 $0x300, s9;
	[tilespmem:v1+s5+$0x0 ss:$0x1] =	vst.idx.msk $0xffff, v6;
	v6 =	vld.idx.msk [tilespmem:v8+s10+$0x0], $0xffff;
	v16 =	vand.u32 $0xFFFFFF80, v14;
	v8 =	vand.u32 $0x7F, v17;
	v12 =	vand.u32 $0xFFFFFF80, v12  }
0x70: {  	[tilespmem:v1+s7+$0x0 ss:$0x1] =	vst.idx.msk $0xffff, v5;
	s8 =	sadd.s32 $0xFFFFFE80, s28;
	s2 =	sadd.s32 s11, s26;
	s11 =	simm.s32 $0x5;
	v13 =	vand.u32 $0x7F, v13;
	v5 =	vand.u32 $0x7F, v14;
	v15 =	vadd.s32 v4, v15  }
0x71: {  	v11 =	vld.idx.msk [tilespmem:v11+s10+$0x0], $0xffff;
	s31 =	sand.u32 $0x200, s8;
	s8 =	sand.u32 $0x280, s13;
	v14 =	vand.u32 $0xFFFFFF80, v17;
	s4 =	sadd.s32 s4, s2;
	v16 =	vadd.s32 v4, v16;
	v13 =	vor.u32 v13, v15  }
0x72: {  	s13 =	simm.s32 $0x6;
	s5 =	sadd.s32 s8, s2;
	v12 =	vadd.s32 v4, v12;
	[tilespmem:v1+s4+$0x0 ss:$0x1] =	vst.idx.msk $0xffff, v10;
	v10 =	vadd.s32 s11, v3;
	v15 =	vor.u32 v5, v16  }
0x73: {  	s9 =	simm.s32 $0x4;
	s0 =	sadd.s32 s31, s2;
	v62 =	vadd.s32 s13, v3;
	v5 =	vadd.s32 v4, v14;
	[tilespmem:v1+s5+$0x0 ss:$0x1] =	vst.idx.msk $0xffff, v7;
	v7 =	vor.u32 v9, v12  }
0x74: {  	s31 =	sand.u32 $0x380, s28;
	s8 =	simm.s32 $0x7;
	v9 =	vadd.s32 s9, v3;
	[tilespmem:v1+s0+$0x0 ss:$0x1] =	vst.idx.msk $0xffff, v6;
	v6 =	vand.u32 $0xFFFFFF80, v10;
	v12 =	vor.u32 v8, v5  }
0x75: {  	s5 =	sadd.s32 s31, s2;
	v63 =	vadd.s32 s8, v3;
	v14 =	vand.u32 $0x7F, v9;
	v8 =	vand.u32 $0xFFFFFF80, v62  }
0x76: {  	s29 =	simm.s32 $0x180;
	s30 =	simm.s32 $0x800;
	s7 =	simm.s32 $0x0;
	v18 =	vadd.s32 v4, v8;
	v8 =	vand.u32 $0x7F, v63;
	[tilespmem:v1+s5+$0x0 ss:$0x1] =	vst.idx.msk $0xffff, v11;
	v1 =	vand.u32 $0xFFFFFF80, v9;
	v5 =	vld.idx.msk [tilespmem:v13+s10+$0x0], $0xffff  }
0x77: {  	s28 =	simm.s32 $0x380;
	s13 =	sand.u32 $0x1000, s1;
	s1 =	sand.u32 $0x200, s7;
	v9 =	vand.u32 $0x7F, v10;
	v11 =	vand.u32 $0x7F, v62;
	v13 =	vadd.s32 v4, v6;
	v6 =	vld.idx.msk [tilespmem:v15+s10+$0x0], $0xffff  }
0x78: {  	s9 =	simm.s32 $0x8;
	s8 =	simm.s32 $0x100;
	s31 =	simm.s32 $0x80;
	v7 =	vld.idx.msk [tilespmem:v7+s10+$0x0], $0xffff;
	v15 =	vadd.s32 v4, v1;
	v10 =	vor.u32 v9, v13;
	v13 =	vand.u32 $0xFFFFFF80, v63  }
0x79: {  	s0 =	sadd.s32 s13, s26;
	s11 =	sand.u32 $0x280, s31;
	s7 =	sand.u32 $0x300, s8;
	v11 =	vor.u32 v11, v18;
	v1 =	vld.idx.msk [tilespmem:v12+s10+$0x0], $0xffff;
	v9 =	vor.u32 v14, v15;
	v12 =	vadd.s32 v4, v13  }
.LBB2_8:
0x7a: {  	s2 =	sadd.s32 s11, s0;
	s4 =	sadd.s32 s7, s0  }
0x7b: {  	s5 =	smov.u32 s9;
	s8 =	sadd.s32 $0x4, s9;
	s7 =	smov.u32 s30  }
0x7c: {  	v12 =	vor.u32 v8, v12;
	v13 =	vadd.s32 s5, v3;
	s11 =	sadd.s32 $0x1, s5;
	s13 =	sadd.s32 $0x2, s5;
	s5 =	sadd.s32 $0x3, s5;
	[tilespmem:v2+s2+$0x0 ss:$0x1] =	vst.idx.msk $0xffff, v5  }
0x7d: {  	p2 =	slt.u32 s9, $0xC;
	s1 =	sadd.s32 s1, s0;
	v14 =	vand.u32 $0x7F, v13;
	v15 =	vadd.s32 s11, v3;
	v16 =	vadd.s32 s13, v3;
	[tilespmem:v2+s4+$0x0 ss:$0x1] =	vst.idx.msk $0xffff, v6  }
.Ltmp2:
0x7e: {  	v17 =	vadd.s32 s5, v3;
	v6 =	vand.u32 $0xFFFFFF80, v15;
	v8 =	vand.u32 $0xFFFFFF80, v16;
	v5 =	vld.idx.msk [tilespmem:v10+s10+$0x0], $0xffff;
	[tilespmem:v2+s1+$0x0 ss:$0x1] =	vst.idx.msk $0xffff, v7;
	s1 =	sand.u32 $0x380, s29;
	s29 =	smov.u32 s28;
	(pc) =	sbr.rel @p2 .LBB2_8-.Ltmp2, $4  }
0x7f: {  	s30 =	sadd.s32 $0x800, s30;
	s9 =	smov.u32 s8;
	v10 =	vadd.s32 v4, v6;
	v18 =	vadd.s32 v4, v8;
	v8 =	vand.u32 $0x7F, v17;
	v6 =	vld.idx.msk [tilespmem:v11+s10+$0x0], $0xffff;
	s0 =	sadd.s32 s1, s0  }
0x80: {  	s28 =	sadd.s32 $0x200, s28;
	v11 =	vand.u32 $0xFFFFFF80, v13;
	v13 =	vand.u32 $0x7F, v15;
	v15 =	vand.u32 $0x7F, v16;
	s1 =	sadd.s32 $0xFFFFFE80, s29;
	s2 =	sadd.s32 $0xFFFFFF80, s29;
	v7 =	vld.idx.msk [tilespmem:v9+s10+$0x0], $0xffff;
	[tilespmem:v2+s0+$0x0 ss:$0x1] =	vst.idx.msk $0xffff, v1  }
0x81: {  	s4 =	sadd.s32 $0xFFFFFF00, s29;
	v9 =	vadd.s32 v4, v11;
	v10 =	vor.u32 v13, v10;
	v13 =	vand.u32 $0xFFFFFF80, v17;
	s0 =	sand.u32 $0x1000, s7;
	s1 =	sand.u32 $0x200, s1;
	v1 =	vld.idx.msk [tilespmem:v12+s10+$0x0], $0xffff  }
0x82: {  	v11 =	vor.u32 v15, v18;
	s11 =	sand.u32 $0x280, s4;
	s7 =	sand.u32 $0x300, s2;
	v9 =	vor.u32 v14, v9;
	v12 =	vadd.s32 v4, v13;
	s0 =	sadd.s32 s0, s26  }
0x83: {  	_ =	sdelay $0x1  }
0x84: {  	v3 =	vor.u32 v8, v12;
	_ =	sdelay $0x1  }
0x85: {  	s2 =	sadd.s32 s11, s0;
	v4 =	vld.idx.msk [tilespmem:v10+s10+$0x0], $0xffff;
	s4 =	sadd.s32 s7, s0;
	s1 =	sadd.s32 s1, s0  }
0x86: {  	s29 =	sand.u32 $0x380, s29;
	v62 =	vld.idx.msk [tilespmem:v11+s10+$0x0], $0xffff;
	s7 =	sand.u32 $0x1000, s30;
	s8 =	sadd.s32 $0xFFFFFF00, s28;
	[tilespmem:v2+s2+$0x0 ss:$0x1] =	vst.idx.msk $0xffff, v5  }
0x87: {  	v63 =	vld.idx.msk [tilespmem:v9+s10+$0x0], $0xffff;
	s9 =	sadd.s32 $0xFFFFFF80, s28;
	s5 =	sadd.s32 $0xFFFFFE80, s28;
	p2 =	slt.u32 s25, $0x1E;
	[tilespmem:v2+s4+$0x0 ss:$0x1] =	vst.idx.msk $0xffff, v6  }
0x88: {  	s31 =	sadd.s32 s29, s0;
	s2 =	sadd.s32 s7, s26;
	s4 =	sand.u32 $0x280, s8;
	[tilespmem:v2+s1+$0x0 ss:$0x1] =	vst.idx.msk $0xffff, v7;
	v3 =	vld.idx.msk [tilespmem:v3+s10+$0x0], $0xffff  }
.Ltmp3:
0x89: {  	s11 =	sand.u32 $0x300, s9;
	s13 =	sadd.s32 s4, s2;
	[tilespmem:v2+s31+$0x0 ss:$0x1] =	vst.idx.msk $0xffff, v1;
	(pc) =	sbr.rel @p2 .LBB2_5-.Ltmp3, $4  }
0x8a: {  	s26 =	sand.u32 $0x200, s5;
	s0 =	sadd.s32 s11, s2;
	[tilespmem:v2+s13+$0x0 ss:$0x1] =	vst.idx.msk $0xffff, v4  }
0x8b: {  	s30 =	sand.u32 $0x380, s28;
	s29 =	sadd.s32 s26, s2;
	[tilespmem:v2+s0+$0x0 ss:$0x1] =	vst.idx.msk $0xffff, v62  }
0x8c: {  	s31 =	sadd.s32 $0x2, s25;
	[tilespmem:v2+s29+$0x0 ss:$0x1] =	vst.idx.msk $0xffff, v63;
	s0 =	sadd.s32 s30, s2  }
0x8d: {  	s25 =	smov.u32 s31;
	[tilespmem:v2+s0+$0x0 ss:$0x1] =	vst.idx.msk $0xffff, v3  }
0x8e: {  	p2 =	seq.s32 s19, $0x31  }
0x8f: {  	_ =	strace $0x9000004B;
	p6 =	sne.s32 s19, $0x0;
	p0 =	por p2, p0  }
0x90: {  	p1 =	por !p6, !p1;
	s0 =	sshll.u32 @p0 s20, $0x12;
	s1 =	sshll.u32 @p0 s21, $0xC  }
0x91: {  	_ =	strace @p0 $0x8000004C;
	s4 =	simm.s32 @p0 $0x20000;
	s0 =	sor.u32 @p0 s1, s0  }
0x92: {  	p1 =	por !p1, !p1;
	s2 =	rddreg [dreg:$0x2];
	s0 =	sshrl.u32 @p0 s0, $0x3  }
0x93: {  	s1 =	sor.u32 @p0 $0x4, s22;
	s0 =	sadd.s32 @p0 s2, s0;
	s2 =	simm.s32 @p0 $0x1000  }
0x94: {  	[hbm4b:s0+s2] =	stream.strided.scatter @p0 [tilespmem:s23], [sflag:s1], $0x2000, s4, s2, $0x200038;
	[tilespmem:$0x14800] =	vst v63  }
0x95: {  	s19 =	sadd.s32 $0x1, s19;
	s0 =	simm.s32 $0x1;
	s1 =	sand.u32 @p1 $0x1, s14  }
0x96: {  	_ =	strace @p0 $0x9000004C;
	s0 =	simm.s32 @!p0 $0x0;
	p0 =	sne.s32 s19, $0x32  }
.Ltmp4:
0x97: {  	s1 =	sor.u32 @p1 $0x4, s1;
	_ =	strace @p1 $0x8000004D;
	(pc) =	sbr.rel @p0 .LBB2_2-.Ltmp4, $4  }
0x98: {  	_ =	swait.ge @p1 [sflag:s1], $0x2000  }
0x99: {  	s2 =	simm.s32 $0x1;
	[sflag:s1] =	ssyncset.done @p1 $0x0  }
0x9a: {  	s2 =	simm.s32 @!p1 $0x0;
	s16 =	sadd.s32 s0, s16;
	[sflag:s1] =	ssyncadd.s32 @p1 $0xFFFFE000  }
0x9b: {  	s14 =	sadd.s32 s2, s14;
	s17 =	sadd.s32 s0, s17;
	_ =	strace @p1 $0x9000004D  }
0x9c: {  	s0 =	sand.u32 $0x1, s14  }
0x9d: {  	_ =	strace $0x8000004E;
	s0 =	sor.u32 $0x4, s0  }
0x9e: {  	_ =	swait.ge [sflag:s0], $0x2000  }
0x9f: {  	s4 =	rddreg [dreg:$0x4]  }
0xa0: {  	s31 =	rddreg [dreg:$0x6];
	s4 =	sadd.s32 $0x1, s4  }
0xa1: {  	p0 =	sne.s32 s4, s31  }
.Ltmp5:
0xa2: {  	_ = 	snop;
	(pc) =	sbr.rel @p0 .LBB2_1-.Ltmp5, $4  }
0xa3: {  	_ = 	snop  }
0xa4: {  	[sflag:s0] =	ssyncset.done $0x0  }
0xa5: {  	[sflag:s0] =	ssyncadd.s32 $0xFFFFE000  }
0xa6: {  	_ =	strace $0x9000004E  }
0xa7: {  	_ =	sfence.sel $0x180000  }
0xa8: {  	[bflag:$0x0] =	sbarrier.arrive $0xFFFF  }
0xa9: {  	_ =	strace $0x90000047  }
0xaa: {  	s0 =	stileid.u32;
	[bflag:$0x2] =	sbarrier.arrive $0xFFFF  }
0xab: {  	p0 =	sne.s32 s0, $0x0;
	s0 =	rddreg [dreg:$0x3]  }
0xac: {  	s0 =	sadd.s32 @!p0 $0x100000, s0  }
0xad: {  	[sflag:s0] =	ssyncadd.tile.s32 @!p0 $0x1;
	_ =	shalt  }
.Lfunc_end2:
_tile_overlayer_lowered:
.L_overlay_start_2:
0xae: {  	(tag) =	ssettag $0x2  }
0xaf: {  	s0 =	rddreg [dreg:$0x0];
	s2 =	stileid.u32  }
0xb0: {  	s1 =	rddreg [dreg:$0x1];
	p0 =	sne.s32 s2, $0x0  }
0xb1: {  	s3 =	rddreg [dreg:$0x2];
	[bflag:$0x3] =	sbarrier.arrive $0xFFFF;
	s2 =	simm.s32 @!p0 $0x1C02  }
0xb2: {  	[timem:s3], [sflag:s2] =	dma.local @!p0 [hbm:s0], s1  }
0xb3: {  	s0 =	simm.s32 @!p0 $0x2  }
0xb4: {  	_ =	swait.ge @!p0 [sflag:s0], s1  }
0xb5: {  	s1 =	ssub.s32 @!p0 $0x0, s1;
	[sflag:s0] =	ssyncset.done @!p0 $0x0  }
0xb6: {  	[sflag:s0] =	ssyncadd.s32 @!p0 s1  }
0xb7: {  	[bflag:$0x3] =	sbarrier.arrive $0xFFFF  }
0xb8: {  	_ =	shalt  }

</sc_bundles>
